<compile_context>
chip_gen: v7x
topology: tpu7x:2x2x1
jax: 0.10.2.dev20260603
libtpu: 0.0.44.dev20260713+nightly
codegen_flags: <defaults>
</compile_context>

<pallas_src>
import functools

import jax
import jax.numpy as jnp
from jax import lax
from jax.experimental import pallas as pl
from jax.experimental.pallas import tpu as pltpu
from jax.experimental.pallas import tpu_sc as plsc

_NW = 32
_L = 16
_CHUNK = 128


def _make_kernel(V, F):
    fpt = -(-F // _NW)
    fpt = -(-fpt // _CHUNK) * _CHUNK
    nchunks = fpt // _CHUNK
    nsteps = fpt // _L
    last = F - (_NW - 1) * fpt

    mesh = plsc.VectorSubcoreMesh(core_axis_name="c", subcore_axis_name="s")

    out_t = jax.ShapeDtypeStruct((F,), jnp.float32)

    @functools.partial(
        pl.kernel,
        out_type=(out_t, out_t, out_t),
        mesh=mesh,
        scratch_types=(
            [pltpu.VMEM((3 * nchunks, _CHUNK), jnp.int32)]
            + [pltpu.VMEM((fpt,), jnp.float32) for _ in range(12)]
            + [pltpu.SemaphoreType.DMA]
        ),
    )
    def face_normals(vx_hbm, vy_hbm, vz_hbm, fidx_hbm,
                     ox_hbm, oy_hbm, oz_hbm,
                     idx_v,
                     gax, gay, gaz, gbx, gby, gbz, gcx, gcy, gcz,
                     ovx, ovy, ovz, sem):
        g_v = ((gax, gay, gaz), (gbx, gby, gbz), (gcx, gcy, gcz))
        o_v = (ovx, ovy, ovz)
        wid = lax.axis_index("s") * 2 + lax.axis_index("c")
        base = wid * fpt

        pltpu.sync_copy(fidx_hbm.at[wid], idx_v)

        coord_hbm = (vx_hbm, vy_hbm, vz_hbm)

        def fire(j, carry):
            sl = pl.ds(j * _CHUNK, _CHUNK)
            for v in range(3):
                idx = idx_v.at[v * nchunks + j]
                for k in range(3):
                    pltpu.async_copy(coord_hbm[k].at[idx],
                                     g_v[v][k].at[sl], sem)
            return carry

        lax.fori_loop(0, nchunks, fire, 0)
        for v in range(3):
            for k in range(3):
                pltpu.make_async_copy(coord_hbm[k].at[pl.ds(0, fpt)],
                                      g_v[v][k], sem).wait()

        def step(i, carry):
            sl = pl.ds(i * _L, _L)
            ax = gax[sl]
            ay = gay[sl]
            az = gaz[sl]
            bx = gbx[sl]
            by = gby[sl]
            bz = gbz[sl]
            cx = gcx[sl]
            cy = gcy[sl]
            cz = gcz[sl]
            e1x = bx - ax
            e1y = by - ay
            e1z = bz - az
            e2x = cx - ax
            e2y = cy - ay
            e2z = cz - az
            nx = e1y * e2z - e1z * e2y
            ny = e1z * e2x - e1x * e2z
            nz = e1x * e2y - e1y * e2x
            nn = nx * nx + ny * ny + nz * nz
            bits = lax.bitcast_convert_type(nn, jnp.int32)
            y = lax.bitcast_convert_type(
                jnp.int32(0x5F3759DF) - (bits >> 1), jnp.float32)
            y = y * (1.5 - 0.5 * nn * y * y)
            y = y * (1.5 - 0.5 * nn * y * y)
            y = y * (1.5 - 0.5 * nn * y * y)
            norm = jnp.maximum(nn * y, jnp.float32(1e-12))
            ovx[sl] = nx / norm
            ovy[sl] = ny / norm
            ovz[sl] = nz / norm
            return carry

        lax.fori_loop(0, nsteps, step, 0)

        out_hbm = (ox_hbm, oy_hbm, oz_hbm)

        @pl.when(wid < _NW - 1)
        def _():
            for k in range(3):
                pltpu.sync_copy(o_v[k],
                                out_hbm[k].at[pl.ds(base, fpt)])

        @pl.when(wid == _NW - 1)
        def _():
            for k in range(3):
                pltpu.sync_copy(o_v[k].at[pl.ds(0, last)],
                                out_hbm[k].at[pl.ds(base, last)])

    return face_normals, fpt, nchunks


def kernel(verts, faces):
    V = verts.shape[0]
    F = faces.shape[0]
    fn, fpt, nchunks = _make_kernel(V, F)
    verts = verts.astype(jnp.float32)
    vx = verts[:, 0]
    vy = verts[:, 1]
    vz = verts[:, 2]
    pad = _NW * fpt - F
    fcols = jnp.concatenate(
        [faces.astype(jnp.int32), jnp.zeros((pad, 3), jnp.int32)])
    fidx = fcols.reshape(_NW, fpt, 3).transpose(0, 2, 1)
    fidx = fidx.reshape(_NW, 3 * nchunks, _CHUNK)
    ox, oy, oz = fn(vx, vy, vz, fidx)
    return jnp.stack([ox, oy, oz], axis=1)

# --- scband reference (transcript-rebuilt; emitter-appended) ---
"""Pipeline reference for scband-meshes-2233382994564 (READ-ONLY COPY).

The authoritative reference and input builder live on the scoring server;
editing this copy changes nothing except your own understanding.
"""

import jax, jax.numpy as jnp
import numpy as np


def setup_inputs(seed: int = 0) -> dict:
    key = jax.random.key(seed)
    k1, k2 = jax.random.split(key)
    verts = jax.random.normal(k1, (100000, 3), dtype=jnp.float32)
    faces = jax.random.randint(k2, (200000, 3), 0, 100000, dtype=jnp.int32)
    return {"verts": verts, "faces": faces}


def reference(verts, faces):
    # Meshes.face_normals: gather face vertices, cross product of edge vectors, normalize.
    faces = faces.astype(jnp.int32)
    faces_verts = jnp.take(verts, faces, axis=0)  # [F, 3, 3]
    e1 = faces_verts[:, 1] - faces_verts[:, 0]
    e2 = faces_verts[:, 2] - faces_verts[:, 0]
    n = jnp.cross(e1, e2)
    # torch.nn.functional.normalize(x, dim=-1): x / max(||x||_2, eps), eps=1e-12
    norm = jnp.linalg.norm(n, axis=-1, keepdims=True)
    return n / jnp.maximum(norm, 1e-12)

if __name__ == "__main__":
    import jax
    _d = setup_inputs()
    print(jax.jit(kernel)(*tuple(_d.values())))

</pallas_src>

<mosaic_0001>
#map = affine_map<(d0, d1) -> (0)>
#map1 = affine_map<(d0, d1) -> (0, 0, 0)>
module attributes {stable_mosaic.version = 14 : i64} {
  func.func @face_normals(%arg0: i32, %arg1: i32, %arg2: memref<100000xf32, #tpu.memory_space<hbm>>, %arg3: memref<100000xf32, #tpu.memory_space<hbm>>, %arg4: memref<100000xf32, #tpu.memory_space<hbm>>, %arg5: memref<32x147x128xi32, #tpu.memory_space<hbm>>, %arg6: memref<200000xf32, #tpu.memory_space<hbm>>, %arg7: memref<200000xf32, #tpu.memory_space<hbm>>, %arg8: memref<200000xf32, #tpu.memory_space<hbm>>, %arg9: memref<147x128xi32, #tpu.memory_space<vmem>>, %arg10: memref<6272xf32, #tpu.memory_space<vmem>>, %arg11: memref<6272xf32, #tpu.memory_space<vmem>>, %arg12: memref<6272xf32, #tpu.memory_space<vmem>>, %arg13: memref<6272xf32, #tpu.memory_space<vmem>>, %arg14: memref<6272xf32, #tpu.memory_space<vmem>>, %arg15: memref<6272xf32, #tpu.memory_space<vmem>>, %arg16: memref<6272xf32, #tpu.memory_space<vmem>>, %arg17: memref<6272xf32, #tpu.memory_space<vmem>>, %arg18: memref<6272xf32, #tpu.memory_space<vmem>>, %arg19: memref<6272xf32, #tpu.memory_space<vmem>>, %arg20: memref<6272xf32, #tpu.memory_space<vmem>>, %arg21: memref<6272xf32, #tpu.memory_space<vmem>>, %arg22: memref<!tpu.dma_semaphore, #tpu.memory_space<semaphore_mem>>) attributes {dimension_semantics = [#tpu.dimension_semantics<core_parallel>, #tpu.dimension_semantics<subcore_parallel>], iteration_bounds = array<i64: 2, 16>, scalar_prefetch = 0 : i64, scratch_operands = 14 : i64, tpu.core_type = #tpu.core_type<sc_vector_subcore>, window_params = [{transform_indices = #map}, {transform_indices = #map}, {transform_indices = #map}, {transform_indices = #map1}, {transform_indices = #map}, {transform_indices = #map}, {transform_indices = #map}]} {
    %mul3A = arith.constant 2 : i32
    %mul3A_0 = arith.muli %arg1, %mul3A : i32
    %add3A = arith.addi %mul3A_0, %arg0 : i32
    %mul3A_1 = arith.constant 6272 : i32
    %mul3A_2 = arith.muli %add3A, %mul3A_1 : i32
    "tpu.region"() ({
      %run_scoped3A = tpu.sem_alloc : memref<!tpu.dma_semaphore, #tpu.memory_space<semaphore_mem>>
      %dma_start3A = arith.constant 0 : i32
      %dma_start3A_55 = arith.constant 0 : i32
      %dma_start3A_56 = tpu.memref_slice %arg5[%add3A, %dma_start3A, %dma_start3A_55] : memref<32x147x128xi32, #tpu.memory_space<hbm>> -> memref<1x147x128xi32, #tpu.memory_space<hbm>>
      %dma_start3A_57 = tpu.memref_squeeze %dma_start3A_56 : memref<1x147x128xi32, #tpu.memory_space<hbm>> -> memref<147x128xi32, #tpu.memory_space<hbm>>
      %dma_start3A_58 = arith.constant 0 : i32
      %dma_start3A_59 = arith.constant 0 : i32
      %dma_start3A_60 = tpu.memref_slice %arg5[%add3A, %dma_start3A_58, %dma_start3A_59] : memref<32x147x128xi32, #tpu.memory_space<hbm>> -> memref<1x147x128xi32, #tpu.memory_space<hbm>>
      %dma_start3A_61 = tpu.memref_squeeze %dma_start3A_60 : memref<1x147x128xi32, #tpu.memory_space<hbm>> -> memref<147x128xi32, #tpu.memory_space<hbm>>
      tpu.enqueue_dma source(%dma_start3A_61 : memref<147x128xi32, #tpu.memory_space<hbm>>) target(%arg9 : memref<147x128xi32, #tpu.memory_space<vmem>>) target_semaphore(%run_scoped3A : memref<!tpu.dma_semaphore, #tpu.memory_space<semaphore_mem>>)
      %dma_wait3A_62 = arith.constant 0 : i32
      %dma_wait3A_63 = arith.constant 0 : i32
      %dma_wait3A_64 = tpu.memref_slice %arg5[%add3A, %dma_wait3A_62, %dma_wait3A_63] : memref<32x147x128xi32, #tpu.memory_space<hbm>> -> memref<1x147x128xi32, #tpu.memory_space<hbm>>
      %dma_wait3A_65 = tpu.memref_squeeze %dma_wait3A_64 : memref<1x147x128xi32, #tpu.memory_space<hbm>> -> memref<147x128xi32, #tpu.memory_space<hbm>>
      %dma_wait3A_66 = arith.constant 0 : i32
      %dma_wait3A_67 = arith.constant 0 : i32
      %dma_wait3A_68 = tpu.memref_slice %arg5[%add3A, %dma_wait3A_66, %dma_wait3A_67] : memref<32x147x128xi32, #tpu.memory_space<hbm>> -> memref<1x147x128xi32, #tpu.memory_space<hbm>>
      %dma_wait3A_69 = tpu.memref_squeeze %dma_wait3A_68 : memref<1x147x128xi32, #tpu.memory_space<hbm>> -> memref<147x128xi32, #tpu.memory_space<hbm>>
      tpu.wait_dma2 semaphore(%run_scoped3A : memref<!tpu.dma_semaphore, #tpu.memory_space<semaphore_mem>>) src(%dma_wait3A_69 : memref<147x128xi32, #tpu.memory_space<hbm>>) dst(%arg9 : memref<147x128xi32, #tpu.memory_space<vmem>>)
      tpu.yield
    }) : () -> ()
    %scan3A = arith.constant 0 : i32
    %scan3A_3 = arith.constant 0 : i32
    %scan3A_4 = arith.constant 49 : i32
    %scan3A_5 = arith.addi %scan3A_3, %scan3A_4 : i32
    %scan3A_6 = arith.constant 1 : i32
    scf.for %scan3A_55 = %scan3A_3 to %scan3A_5 step %scan3A_6  : i32 {
      %mul3A_56 = arith.constant 128 : i32
      %mul3A_57 = arith.muli %scan3A_55, %mul3A_56 : i32
      %add3A_58 = arith.constant 0 : i32
      %add3A_59 = arith.addi %add3A_58, %scan3A_55 : i32
      %dma_start3A = tpu.memref_slice %arg10[%mul3A_57] : memref<6272xf32, #tpu.memory_space<vmem>> -> memref<128xf32, #tpu.memory_space<vmem>>
      %dma_start3A_60 = arith.constant 0 : i32
      %dma_start3A_61 = tpu.memref_slice %arg9[%add3A_59, %dma_start3A_60] : memref<147x128xi32, #tpu.memory_space<vmem>> -> memref<1x128xi32, #tpu.memory_space<vmem>>
      %dma_start3A_62 = tpu.memref_squeeze %dma_start3A_61 : memref<1x128xi32, #tpu.memory_space<vmem>> -> memref<128xi32, #tpu.memory_space<vmem>>
      %dma_start3A_63 = arith.constant 0 : i32
      %dma_start3A_64 = tpu.memref_slice %arg2[%dma_start3A_63] : memref<100000xf32, #tpu.memory_space<hbm>> -> memref<100000xf32, #tpu.memory_space<hbm>>
      tpu.enqueue_indirect_dma source(%dma_start3A_64 : memref<100000xf32, #tpu.memory_space<hbm>>) target(%dma_start3A : memref<128xf32, #tpu.memory_space<vmem>>) offsets(%dma_start3A_62 : memref<128xi32, #tpu.memory_space<vmem>>) semaphore(%arg22 : memref<!tpu.dma_semaphore, #tpu.memory_space<semaphore_mem>>)
      %dma_start3A_65 = tpu.memref_slice %arg11[%mul3A_57] : memref<6272xf32, #tpu.memory_space<vmem>> -> memref<128xf32, #tpu.memory_space<vmem>>
      %dma_start3A_66 = arith.constant 0 : i32
      %dma_start3A_67 = tpu.memref_slice %arg9[%add3A_59, %dma_start3A_66] : memref<147x128xi32, #tpu.memory_space<vmem>> -> memref<1x128xi32, #tpu.memory_space<vmem>>
      %dma_start3A_68 = tpu.memref_squeeze %dma_start3A_67 : memref<1x128xi32, #tpu.memory_space<vmem>> -> memref<128xi32, #tpu.memory_space<vmem>>
      %dma_start3A_69 = arith.constant 0 : i32
      %dma_start3A_70 = tpu.memref_slice %arg3[%dma_start3A_69] : memref<100000xf32, #tpu.memory_space<hbm>> -> memref<100000xf32, #tpu.memory_space<hbm>>
      tpu.enqueue_indirect_dma source(%dma_start3A_70 : memref<100000xf32, #tpu.memory_space<hbm>>) target(%dma_start3A_65 : memref<128xf32, #tpu.memory_space<vmem>>) offsets(%dma_start3A_68 : memref<128xi32, #tpu.memory_space<vmem>>) semaphore(%arg22 : memref<!tpu.dma_semaphore, #tpu.memory_space<semaphore_mem>>)
      %dma_start3A_71 = tpu.memref_slice %arg12[%mul3A_57] : memref<6272xf32, #tpu.memory_space<vmem>> -> memref<128xf32, #tpu.memory_space<vmem>>
      %dma_start3A_72 = arith.constant 0 : i32
      %dma_start3A_73 = tpu.memref_slice %arg9[%add3A_59, %dma_start3A_72] : memref<147x128xi32, #tpu.memory_space<vmem>> -> memref<1x128xi32, #tpu.memory_space<vmem>>
      %dma_start3A_74 = tpu.memref_squeeze %dma_start3A_73 : memref<1x128xi32, #tpu.memory_space<vmem>> -> memref<128xi32, #tpu.memory_space<vmem>>
      %dma_start3A_75 = arith.constant 0 : i32
      %dma_start3A_76 = tpu.memref_slice %arg4[%dma_start3A_75] : memref<100000xf32, #tpu.memory_space<hbm>> -> memref<100000xf32, #tpu.memory_space<hbm>>
      tpu.enqueue_indirect_dma source(%dma_start3A_76 : memref<100000xf32, #tpu.memory_space<hbm>>) target(%dma_start3A_71 : memref<128xf32, #tpu.memory_space<vmem>>) offsets(%dma_start3A_74 : memref<128xi32, #tpu.memory_space<vmem>>) semaphore(%arg22 : memref<!tpu.dma_semaphore, #tpu.memory_space<semaphore_mem>>)
      %add3A_77 = arith.constant 49 : i32
      %add3A_78 = arith.addi %add3A_77, %scan3A_55 : i32
      %dma_start3A_79 = tpu.memref_slice %arg13[%mul3A_57] : memref<6272xf32, #tpu.memory_space<vmem>> -> memref<128xf32, #tpu.memory_space<vmem>>
      %dma_start3A_80 = arith.constant 0 : i32
      %dma_start3A_81 = tpu.memref_slice %arg9[%add3A_78, %dma_start3A_80] : memref<147x128xi32, #tpu.memory_space<vmem>> -> memref<1x128xi32, #tpu.memory_space<vmem>>
      %dma_start3A_82 = tpu.memref_squeeze %dma_start3A_81 : memref<1x128xi32, #tpu.memory_space<vmem>> -> memref<128xi32, #tpu.memory_space<vmem>>
      %dma_start3A_83 = arith.constant 0 : i32
      %dma_start3A_84 = tpu.memref_slice %arg2[%dma_start3A_83] : memref<100000xf32, #tpu.memory_space<hbm>> -> memref<100000xf32, #tpu.memory_space<hbm>>
      tpu.enqueue_indirect_dma source(%dma_start3A_84 : memref<100000xf32, #tpu.memory_space<hbm>>) target(%dma_start3A_79 : memref<128xf32, #tpu.memory_space<vmem>>) offsets(%dma_start3A_82 : memref<128xi32, #tpu.memory_space<vmem>>) semaphore(%arg22 : memref<!tpu.dma_semaphore, #tpu.memory_space<semaphore_mem>>)
      %dma_start3A_85 = tpu.memref_slice %arg14[%mul3A_57] : memref<6272xf32, #tpu.memory_space<vmem>> -> memref<128xf32, #tpu.memory_space<vmem>>
      %dma_start3A_86 = arith.constant 0 : i32
      %dma_start3A_87 = tpu.memref_slice %arg9[%add3A_78, %dma_start3A_86] : memref<147x128xi32, #tpu.memory_space<vmem>> -> memref<1x128xi32, #tpu.memory_space<vmem>>
      %dma_start3A_88 = tpu.memref_squeeze %dma_start3A_87 : memref<1x128xi32, #tpu.memory_space<vmem>> -> memref<128xi32, #tpu.memory_space<vmem>>
      %dma_start3A_89 = arith.constant 0 : i32
      %dma_start3A_90 = tpu.memref_slice %arg3[%dma_start3A_89] : memref<100000xf32, #tpu.memory_space<hbm>> -> memref<100000xf32, #tpu.memory_space<hbm>>
      tpu.enqueue_indirect_dma source(%dma_start3A_90 : memref<100000xf32, #tpu.memory_space<hbm>>) target(%dma_start3A_85 : memref<128xf32, #tpu.memory_space<vmem>>) offsets(%dma_start3A_88 : memref<128xi32, #tpu.memory_space<vmem>>) semaphore(%arg22 : memref<!tpu.dma_semaphore, #tpu.memory_space<semaphore_mem>>)
      %dma_start3A_91 = tpu.memref_slice %arg15[%mul3A_57] : memref<6272xf32, #tpu.memory_space<vmem>> -> memref<128xf32, #tpu.memory_space<vmem>>
      %dma_start3A_92 = arith.constant 0 : i32
      %dma_start3A_93 = tpu.memref_slice %arg9[%add3A_78, %dma_start3A_92] : memref<147x128xi32, #tpu.memory_space<vmem>> -> memref<1x128xi32, #tpu.memory_space<vmem>>
      %dma_start3A_94 = tpu.memref_squeeze %dma_start3A_93 : memref<1x128xi32, #tpu.memory_space<vmem>> -> memref<128xi32, #tpu.memory_space<vmem>>
      %dma_start3A_95 = arith.constant 0 : i32
      %dma_start3A_96 = tpu.memref_slice %arg4[%dma_start3A_95] : memref<100000xf32, #tpu.memory_space<hbm>> -> memref<100000xf32, #tpu.memory_space<hbm>>
      tpu.enqueue_indirect_dma source(%dma_start3A_96 : memref<100000xf32, #tpu.memory_space<hbm>>) target(%dma_start3A_91 : memref<128xf32, #tpu.memory_space<vmem>>) offsets(%dma_start3A_94 : memref<128xi32, #tpu.memory_space<vmem>>) semaphore(%arg22 : memref<!tpu.dma_semaphore, #tpu.memory_space<semaphore_mem>>)
      %add3A_97 = arith.constant 98 : i32
      %add3A_98 = arith.addi %add3A_97, %scan3A_55 : i32
      %dma_start3A_99 = tpu.memref_slice %arg16[%mul3A_57] : memref<6272xf32, #tpu.memory_space<vmem>> -> memref<128xf32, #tpu.memory_space<vmem>>
      %dma_start3A_100 = arith.constant 0 : i32
      %dma_start3A_101 = tpu.memref_slice %arg9[%add3A_98, %dma_start3A_100] : memref<147x128xi32, #tpu.memory_space<vmem>> -> memref<1x128xi32, #tpu.memory_space<vmem>>
      %dma_start3A_102 = tpu.memref_squeeze %dma_start3A_101 : memref<1x128xi32, #tpu.memory_space<vmem>> -> memref<128xi32, #tpu.memory_space<vmem>>
      %dma_start3A_103 = arith.constant 0 : i32
      %dma_start3A_104 = tpu.memref_slice %arg2[%dma_start3A_103] : memref<100000xf32, #tpu.memory_space<hbm>> -> memref<100000xf32, #tpu.memory_space<hbm>>
      tpu.enqueue_indirect_dma source(%dma_start3A_104 : memref<100000xf32, #tpu.memory_space<hbm>>) target(%dma_start3A_99 : memref<128xf32, #tpu.memory_space<vmem>>) offsets(%dma_start3A_102 : memref<128xi32, #tpu.memory_space<vmem>>) semaphore(%arg22 : memref<!tpu.dma_semaphore, #tpu.memory_space<semaphore_mem>>)
      %dma_start3A_105 = tpu.memref_slice %arg17[%mul3A_57] : memref<6272xf32, #tpu.memory_space<vmem>> -> memref<128xf32, #tpu.memory_space<vmem>>
      %dma_start3A_106 = arith.constant 0 : i32
      %dma_start3A_107 = tpu.memref_slice %arg9[%add3A_98, %dma_start3A_106] : memref<147x128xi32, #tpu.memory_space<vmem>> -> memref<1x128xi32, #tpu.memory_space<vmem>>
      %dma_start3A_108 = tpu.memref_squeeze %dma_start3A_107 : memref<1x128xi32, #tpu.memory_space<vmem>> -> memref<128xi32, #tpu.memory_space<vmem>>
      %dma_start3A_109 = arith.constant 0 : i32
      %dma_start3A_110 = tpu.memref_slice %arg3[%dma_start3A_109] : memref<100000xf32, #tpu.memory_space<hbm>> -> memref<100000xf32, #tpu.memory_space<hbm>>
      tpu.enqueue_indirect_dma source(%dma_start3A_110 : memref<100000xf32, #tpu.memory_space<hbm>>) target(%dma_start3A_105 : memref<128xf32, #tpu.memory_space<vmem>>) offsets(%dma_start3A_108 : memref<128xi32, #tpu.memory_space<vmem>>) semaphore(%arg22 : memref<!tpu.dma_semaphore, #tpu.memory_space<semaphore_mem>>)
      %dma_start3A_111 = tpu.memref_slice %arg18[%mul3A_57] : memref<6272xf32, #tpu.memory_space<vmem>> -> memref<128xf32, #tpu.memory_space<vmem>>
      %dma_start3A_112 = arith.constant 0 : i32
      %dma_start3A_113 = tpu.memref_slice %arg9[%add3A_98, %dma_start3A_112] : memref<147x128xi32, #tpu.memory_space<vmem>> -> memref<1x128xi32, #tpu.memory_space<vmem>>
      %dma_start3A_114 = tpu.memref_squeeze %dma_start3A_113 : memref<1x128xi32, #tpu.memory_space<vmem>> -> memref<128xi32, #tpu.memory_space<vmem>>
      %dma_start3A_115 = arith.constant 0 : i32
      %dma_start3A_116 = tpu.memref_slice %arg4[%dma_start3A_115] : memref<100000xf32, #tpu.memory_space<hbm>> -> memref<100000xf32, #tpu.memory_space<hbm>>
      tpu.enqueue_indirect_dma source(%dma_start3A_116 : memref<100000xf32, #tpu.memory_space<hbm>>) target(%dma_start3A_111 : memref<128xf32, #tpu.memory_space<vmem>>) offsets(%dma_start3A_114 : memref<128xi32, #tpu.memory_space<vmem>>) semaphore(%arg22 : memref<!tpu.dma_semaphore, #tpu.memory_space<semaphore_mem>>)
    }
    %scan3A_7 = arith.constant 49 : i32
    %dma_wait3A = arith.constant 0 : i32
    %dma_wait3A_8 = tpu.memref_slice %arg2[%dma_wait3A] : memref<100000xf32, #tpu.memory_space<hbm>> -> memref<6272xf32, #tpu.memory_space<hbm>>
    %dma_wait3A_9 = arith.constant 0 : i32
    %dma_wait3A_10 = tpu.memref_slice %arg2[%dma_wait3A_9] : memref<100000xf32, #tpu.memory_space<hbm>> -> memref<6272xf32, #tpu.memory_space<hbm>>
    tpu.wait_dma2 semaphore(%arg22 : memref<!tpu.dma_semaphore, #tpu.memory_space<semaphore_mem>>) src(%dma_wait3A_10 : memref<6272xf32, #tpu.memory_space<hbm>>) dst(%arg10 : memref<6272xf32, #tpu.memory_space<vmem>>)
    %dma_wait3A_11 = arith.constant 0 : i32
    %dma_wait3A_12 = tpu.memref_slice %arg3[%dma_wait3A_11] : memref<100000xf32, #tpu.memory_space<hbm>> -> memref<6272xf32, #tpu.memory_space<hbm>>
    %dma_wait3A_13 = arith.constant 0 : i32
    %dma_wait3A_14 = tpu.memref_slice %arg3[%dma_wait3A_13] : memref<100000xf32, #tpu.memory_space<hbm>> -> memref<6272xf32, #tpu.memory_space<hbm>>
    tpu.wait_dma2 semaphore(%arg22 : memref<!tpu.dma_semaphore, #tpu.memory_space<semaphore_mem>>) src(%dma_wait3A_14 : memref<6272xf32, #tpu.memory_space<hbm>>) dst(%arg11 : memref<6272xf32, #tpu.memory_space<vmem>>)
    %dma_wait3A_15 = arith.constant 0 : i32
    %dma_wait3A_16 = tpu.memref_slice %arg4[%dma_wait3A_15] : memref<100000xf32, #tpu.memory_space<hbm>> -> memref<6272xf32, #tpu.memory_space<hbm>>
    %dma_wait3A_17 = arith.constant 0 : i32
    %dma_wait3A_18 = tpu.memref_slice %arg4[%dma_wait3A_17] : memref<100000xf32, #tpu.memory_space<hbm>> -> memref<6272xf32, #tpu.memory_space<hbm>>
    tpu.wait_dma2 semaphore(%arg22 : memref<!tpu.dma_semaphore, #tpu.memory_space<semaphore_mem>>) src(%dma_wait3A_18 : memref<6272xf32, #tpu.memory_space<hbm>>) dst(%arg12 : memref<6272xf32, #tpu.memory_space<vmem>>)
    %dma_wait3A_19 = arith.constant 0 : i32
    %dma_wait3A_20 = tpu.memref_slice %arg2[%dma_wait3A_19] : memref<100000xf32, #tpu.memory_space<hbm>> -> memref<6272xf32, #tpu.memory_space<hbm>>
    %dma_wait3A_21 = arith.constant 0 : i32
    %dma_wait3A_22 = tpu.memref_slice %arg2[%dma_wait3A_21] : memref<100000xf32, #tpu.memory_space<hbm>> -> memref<6272xf32, #tpu.memory_space<hbm>>
    tpu.wait_dma2 semaphore(%arg22 : memref<!tpu.dma_semaphore, #tpu.memory_space<semaphore_mem>>) src(%dma_wait3A_22 : memref<6272xf32, #tpu.memory_space<hbm>>) dst(%arg13 : memref<6272xf32, #tpu.memory_space<vmem>>)
    %dma_wait3A_23 = arith.constant 0 : i32
    %dma_wait3A_24 = tpu.memref_slice %arg3[%dma_wait3A_23] : memref<100000xf32, #tpu.memory_space<hbm>> -> memref<6272xf32, #tpu.memory_space<hbm>>
    %dma_wait3A_25 = arith.constant 0 : i32
    %dma_wait3A_26 = tpu.memref_slice %arg3[%dma_wait3A_25] : memref<100000xf32, #tpu.memory_space<hbm>> -> memref<6272xf32, #tpu.memory_space<hbm>>
    tpu.wait_dma2 semaphore(%arg22 : memref<!tpu.dma_semaphore, #tpu.memory_space<semaphore_mem>>) src(%dma_wait3A_26 : memref<6272xf32, #tpu.memory_space<hbm>>) dst(%arg14 : memref<6272xf32, #tpu.memory_space<vmem>>)
    %dma_wait3A_27 = arith.constant 0 : i32
    %dma_wait3A_28 = tpu.memref_slice %arg4[%dma_wait3A_27] : memref<100000xf32, #tpu.memory_space<hbm>> -> memref<6272xf32, #tpu.memory_space<hbm>>
    %dma_wait3A_29 = arith.constant 0 : i32
    %dma_wait3A_30 = tpu.memref_slice %arg4[%dma_wait3A_29] : memref<100000xf32, #tpu.memory_space<hbm>> -> memref<6272xf32, #tpu.memory_space<hbm>>
    tpu.wait_dma2 semaphore(%arg22 : memref<!tpu.dma_semaphore, #tpu.memory_space<semaphore_mem>>) src(%dma_wait3A_30 : memref<6272xf32, #tpu.memory_space<hbm>>) dst(%arg15 : memref<6272xf32, #tpu.memory_space<vmem>>)
    %dma_wait3A_31 = arith.constant 0 : i32
    %dma_wait3A_32 = tpu.memref_slice %arg2[%dma_wait3A_31] : memref<100000xf32, #tpu.memory_space<hbm>> -> memref<6272xf32, #tpu.memory_space<hbm>>
    %dma_wait3A_33 = arith.constant 0 : i32
    %dma_wait3A_34 = tpu.memref_slice %arg2[%dma_wait3A_33] : memref<100000xf32, #tpu.memory_space<hbm>> -> memref<6272xf32, #tpu.memory_space<hbm>>
    tpu.wait_dma2 semaphore(%arg22 : memref<!tpu.dma_semaphore, #tpu.memory_space<semaphore_mem>>) src(%dma_wait3A_34 : memref<6272xf32, #tpu.memory_space<hbm>>) dst(%arg16 : memref<6272xf32, #tpu.memory_space<vmem>>)
    %dma_wait3A_35 = arith.constant 0 : i32
    %dma_wait3A_36 = tpu.memref_slice %arg3[%dma_wait3A_35] : memref<100000xf32, #tpu.memory_space<hbm>> -> memref<6272xf32, #tpu.memory_space<hbm>>
    %dma_wait3A_37 = arith.constant 0 : i32
    %dma_wait3A_38 = tpu.memref_slice %arg3[%dma_wait3A_37] : memref<100000xf32, #tpu.memory_space<hbm>> -> memref<6272xf32, #tpu.memory_space<hbm>>
    tpu.wait_dma2 semaphore(%arg22 : memref<!tpu.dma_semaphore, #tpu.memory_space<semaphore_mem>>) src(%dma_wait3A_38 : memref<6272xf32, #tpu.memory_space<hbm>>) dst(%arg17 : memref<6272xf32, #tpu.memory_space<vmem>>)
    %dma_wait3A_39 = arith.constant 0 : i32
    %dma_wait3A_40 = tpu.memref_slice %arg4[%dma_wait3A_39] : memref<100000xf32, #tpu.memory_space<hbm>> -> memref<6272xf32, #tpu.memory_space<hbm>>
    %dma_wait3A_41 = arith.constant 0 : i32
    %dma_wait3A_42 = tpu.memref_slice %arg4[%dma_wait3A_41] : memref<100000xf32, #tpu.memory_space<hbm>> -> memref<6272xf32, #tpu.memory_space<hbm>>
    tpu.wait_dma2 semaphore(%arg22 : memref<!tpu.dma_semaphore, #tpu.memory_space<semaphore_mem>>) src(%dma_wait3A_42 : memref<6272xf32, #tpu.memory_space<hbm>>) dst(%arg18 : memref<6272xf32, #tpu.memory_space<vmem>>)
    %scan3A_43 = arith.constant 0 : i32
    %scan3A_44 = arith.constant 0 : i32
    %scan3A_45 = arith.constant 392 : i32
    %scan3A_46 = arith.addi %scan3A_44, %scan3A_45 : i32
    %scan3A_47 = arith.constant 1 : i32
    scf.for %scan3A_55 = %scan3A_44 to %scan3A_46 step %scan3A_47  : i32 {
      %mul3A_56 = arith.constant 16 : i32
      %mul3A_57 = arith.muli %scan3A_55, %mul3A_56 : i32
      %get3A = arith.index_cast %mul3A_57 : i32 to index
      %get3A_58 = tpu.vector_load %arg10[%get3A] {strides = array<i32>} : memref<6272xf32, #tpu.memory_space<vmem>>, vector<16xf32>,
      %get3A_59 = vector.shape_cast %get3A_58 : vector<16xf32> to vector<16xf32>
      %get3A_60 = arith.index_cast %mul3A_57 : i32 to index
      %get3A_61 = tpu.vector_load %arg11[%get3A_60] {strides = array<i32>} : memref<6272xf32, #tpu.memory_space<vmem>>, vector<16xf32>,
      %get3A_62 = vector.shape_cast %get3A_61 : vector<16xf32> to vector<16xf32>
      %get3A_63 = arith.index_cast %mul3A_57 : i32 to index
      %get3A_64 = tpu.vector_load %arg12[%get3A_63] {strides = array<i32>} : memref<6272xf32, #tpu.memory_space<vmem>>, vector<16xf32>,
      %get3A_65 = vector.shape_cast %get3A_64 : vector<16xf32> to vector<16xf32>
      %get3A_66 = arith.index_cast %mul3A_57 : i32 to index
      %get3A_67 = tpu.vector_load %arg13[%get3A_66] {strides = array<i32>} : memref<6272xf32, #tpu.memory_space<vmem>>, vector<16xf32>,
      %get3A_68 = vector.shape_cast %get3A_67 : vector<16xf32> to vector<16xf32>
      %get3A_69 = arith.index_cast %mul3A_57 : i32 to index
      %get3A_70 = tpu.vector_load %arg14[%get3A_69] {strides = array<i32>} : memref<6272xf32, #tpu.memory_space<vmem>>, vector<16xf32>,
      %get3A_71 = vector.shape_cast %get3A_70 : vector<16xf32> to vector<16xf32>
      %get3A_72 = arith.index_cast %mul3A_57 : i32 to index
      %get3A_73 = tpu.vector_load %arg15[%get3A_72] {strides = array<i32>} : memref<6272xf32, #tpu.memory_space<vmem>>, vector<16xf32>,
      %get3A_74 = vector.shape_cast %get3A_73 : vector<16xf32> to vector<16xf32>
      %get3A_75 = arith.index_cast %mul3A_57 : i32 to index
      %get3A_76 = tpu.vector_load %arg16[%get3A_75] {strides = array<i32>} : memref<6272xf32, #tpu.memory_space<vmem>>, vector<16xf32>,
      %get3A_77 = vector.shape_cast %get3A_76 : vector<16xf32> to vector<16xf32>
      %get3A_78 = arith.index_cast %mul3A_57 : i32 to index
      %get3A_79 = tpu.vector_load %arg17[%get3A_78] {strides = array<i32>} : memref<6272xf32, #tpu.memory_space<vmem>>, vector<16xf32>,
      %get3A_80 = vector.shape_cast %get3A_79 : vector<16xf32> to vector<16xf32>
      %get3A_81 = arith.index_cast %mul3A_57 : i32 to index
      %get3A_82 = tpu.vector_load %arg18[%get3A_81] {strides = array<i32>} : memref<6272xf32, #tpu.memory_space<vmem>>, vector<16xf32>,
      %get3A_83 = vector.shape_cast %get3A_82 : vector<16xf32> to vector<16xf32>
      %sub3A = arith.subf %get3A_68, %get3A_59 : vector<16xf32>
      %sub3A_84 = arith.subf %get3A_71, %get3A_62 : vector<16xf32>
      %sub3A_85 = arith.subf %get3A_74, %get3A_65 : vector<16xf32>
      %sub3A_86 = arith.subf %get3A_77, %get3A_59 : vector<16xf32>
      %sub3A_87 = arith.subf %get3A_80, %get3A_62 : vector<16xf32>
      %sub3A_88 = arith.subf %get3A_83, %get3A_65 : vector<16xf32>
      %mul3A_89 = arith.mulf %sub3A_84, %sub3A_88 : vector<16xf32>
      %mul3A_90 = arith.mulf %sub3A_85, %sub3A_87 : vector<16xf32>
      %sub3A_91 = arith.subf %mul3A_89, %mul3A_90 : vector<16xf32>
      %mul3A_92 = arith.mulf %sub3A_85, %sub3A_86 : vector<16xf32>
      %mul3A_93 = arith.mulf %sub3A, %sub3A_88 : vector<16xf32>
      %sub3A_94 = arith.subf %mul3A_92, %mul3A_93 : vector<16xf32>
      %mul3A_95 = arith.mulf %sub3A, %sub3A_87 : vector<16xf32>
      %mul3A_96 = arith.mulf %sub3A_84, %sub3A_86 : vector<16xf32>
      %sub3A_97 = arith.subf %mul3A_95, %mul3A_96 : vector<16xf32>
      %mul3A_98 = arith.mulf %sub3A_91, %sub3A_91 : vector<16xf32>
      %mul3A_99 = arith.mulf %sub3A_94, %sub3A_94 : vector<16xf32>
      %add3A_100 = arith.addf %mul3A_98, %mul3A_99 : vector<16xf32>
      %mul3A_101 = arith.mulf %sub3A_97, %sub3A_97 : vector<16xf32>
      %add3A_102 = arith.addf %add3A_100, %mul3A_101 : vector<16xf32>
      %bitcast_convert_type3A = tpu.bitcast %add3A_102 : vector<16xf32> -> vector<16xi32>
      %shift_right_arithmetic3A = arith.constant 1 : i32
      %shift_right_arithmetic3A_103 = vector.broadcast %shift_right_arithmetic3A : i32 to vector<16xi32>
      %shift_right_arithmetic3A_104 = arith.shrsi %bitcast_convert_type3A, %shift_right_arithmetic3A_103 : vector<16xi32>
      %sub3A_105 = arith.constant 1597463007 : i32
      %sub3A_106 = vector.broadcast %sub3A_105 : i32 to vector<16xi32>
      %sub3A_107 = arith.subi %sub3A_106, %shift_right_arithmetic3A_104 : vector<16xi32>
      %bitcast_convert_type3A_108 = tpu.bitcast %sub3A_107 : vector<16xi32> -> vector<16xf32>
      %mul3A_109 = arith.constant 5.000000e-01 : f32
      %mul3A_110 = vector.broadcast %mul3A_109 : f32 to vector<16xf32>
      %mul3A_111 = arith.mulf %mul3A_110, %add3A_102 : vector<16xf32>
      %mul3A_112 = arith.mulf %mul3A_111, %bitcast_convert_type3A_108 : vector<16xf32>
      %mul3A_113 = arith.mulf %mul3A_112, %bitcast_convert_type3A_108 : vector<16xf32>
      %sub3A_114 = arith.constant 1.500000e+00 : f32
      %sub3A_115 = vector.broadcast %sub3A_114 : f32 to vector<16xf32>
      %sub3A_116 = arith.subf %sub3A_115, %mul3A_113 : vector<16xf32>
      %mul3A_117 = arith.mulf %bitcast_convert_type3A_108, %sub3A_116 : vector<16xf32>
      %mul3A_118 = arith.constant 5.000000e-01 : f32
      %mul3A_119 = vector.broadcast %mul3A_118 : f32 to vector<16xf32>
      %mul3A_120 = arith.mulf %mul3A_119, %add3A_102 : vector<16xf32>
      %mul3A_121 = arith.mulf %mul3A_120, %mul3A_117 : vector<16xf32>
      %mul3A_122 = arith.mulf %mul3A_121, %mul3A_117 : vector<16xf32>
      %sub3A_123 = arith.constant 1.500000e+00 : f32
      %sub3A_124 = vector.broadcast %sub3A_123 : f32 to vector<16xf32>
      %sub3A_125 = arith.subf %sub3A_124, %mul3A_122 : vector<16xf32>
      %mul3A_126 = arith.mulf %mul3A_117, %sub3A_125 : vector<16xf32>
      %mul3A_127 = arith.constant 5.000000e-01 : f32
      %mul3A_128 = vector.broadcast %mul3A_127 : f32 to vector<16xf32>
      %mul3A_129 = arith.mulf %mul3A_128, %add3A_102 : vector<16xf32>
      %mul3A_130 = arith.mulf %mul3A_129, %mul3A_126 : vector<16xf32>
      %mul3A_131 = arith.mulf %mul3A_130, %mul3A_126 : vector<16xf32>
      %sub3A_132 = arith.constant 1.500000e+00 : f32
      %sub3A_133 = vector.broadcast %sub3A_132 : f32 to vector<16xf32>
      %sub3A_134 = arith.subf %sub3A_133, %mul3A_131 : vector<16xf32>
      %mul3A_135 = arith.mulf %mul3A_126, %sub3A_134 : vector<16xf32>
      %mul3A_136 = arith.mulf %add3A_102, %mul3A_135 : vector<16xf32>
      %max3A = arith.constant 9.99999996E-13 : f32
      %max3A_137 = vector.broadcast %max3A : f32 to vector<16xf32>
      %max3A_138 = arith.maximumf %mul3A_136, %max3A_137 : vector<16xf32>
      %div3A = arith.divf %sub3A_91, %max3A_138 : vector<16xf32>
      %swap3A = arith.index_cast %mul3A_57 : i32 to index
      %swap3A_139 = tpu.vector_load %arg19[%swap3A] {strides = array<i32>} : memref<6272xf32, #tpu.memory_space<vmem>>, vector<16xf32>,
      %swap3A_140 = vector.shape_cast %swap3A_139 : vector<16xf32> to vector<16xf32>
      %swap3A_141 = vector.shape_cast %div3A : vector<16xf32> to vector<16xf32>
      tpu.vector_store %arg19[%swap3A], %swap3A_141 {strides = array<i32>} : memref<6272xf32, #tpu.memory_space<vmem>>, vector<16xf32>,
      %div3A_142 = arith.divf %sub3A_94, %max3A_138 : vector<16xf32>
      %swap3A_143 = arith.index_cast %mul3A_57 : i32 to index
      %swap3A_144 = tpu.vector_load %arg20[%swap3A_143] {strides = array<i32>} : memref<6272xf32, #tpu.memory_space<vmem>>, vector<16xf32>,
      %swap3A_145 = vector.shape_cast %swap3A_144 : vector<16xf32> to vector<16xf32>
      %swap3A_146 = vector.shape_cast %div3A_142 : vector<16xf32> to vector<16xf32>
      tpu.vector_store %arg20[%swap3A_143], %swap3A_146 {strides = array<i32>} : memref<6272xf32, #tpu.memory_space<vmem>>, vector<16xf32>,
      %div3A_147 = arith.divf %sub3A_97, %max3A_138 : vector<16xf32>
      %swap3A_148 = arith.index_cast %mul3A_57 : i32 to index
      %swap3A_149 = tpu.vector_load %arg21[%swap3A_148] {strides = array<i32>} : memref<6272xf32, #tpu.memory_space<vmem>>, vector<16xf32>,
      %swap3A_150 = vector.shape_cast %swap3A_149 : vector<16xf32> to vector<16xf32>
      %swap3A_151 = vector.shape_cast %div3A_147 : vector<16xf32> to vector<16xf32>
      tpu.vector_store %arg21[%swap3A_148], %swap3A_151 {strides = array<i32>} : memref<6272xf32, #tpu.memory_space<vmem>>, vector<16xf32>,
    }
    %scan3A_48 = arith.constant 392 : i32
    %lt3A = arith.constant 31 : i32
    %lt3A_49 = arith.cmpi slt, %add3A, %lt3A : i32
    %convert_element_type3A = arith.extui %lt3A_49 : i1 to i32
    %cond3A = arith.constant 0 : i32
    %cond3A_50 = arith.cmpi ne, %convert_element_type3A, %cond3A : i32
    scf.if %cond3A_50 {
      "tpu.region"() ({
        %run_scoped3A = tpu.sem_alloc : memref<!tpu.dma_semaphore, #tpu.memory_space<semaphore_mem>>
        %dma_start3A = tpu.memref_slice %arg6[%mul3A_2] : memref<200000xf32, #tpu.memory_space<hbm>> -> memref<6272xf32, #tpu.memory_space<hbm>>
        %dma_start3A_55 = tpu.memref_slice %arg6[%mul3A_2] : memref<200000xf32, #tpu.memory_space<hbm>> -> memref<6272xf32, #tpu.memory_space<hbm>>
        tpu.enqueue_dma source(%arg19 : memref<6272xf32, #tpu.memory_space<vmem>>) target(%dma_start3A_55 : memref<6272xf32, #tpu.memory_space<hbm>>) target_semaphore(%run_scoped3A : memref<!tpu.dma_semaphore, #tpu.memory_space<semaphore_mem>>)
        %dma_wait3A_56 = tpu.memref_slice %arg6[%mul3A_2] : memref<200000xf32, #tpu.memory_space<hbm>> -> memref<6272xf32, #tpu.memory_space<hbm>>
        %dma_wait3A_57 = tpu.memref_slice %arg6[%mul3A_2] : memref<200000xf32, #tpu.memory_space<hbm>> -> memref<6272xf32, #tpu.memory_space<hbm>>
        tpu.wait_dma2 semaphore(%run_scoped3A : memref<!tpu.dma_semaphore, #tpu.memory_space<semaphore_mem>>) src(%arg19 : memref<6272xf32, #tpu.memory_space<vmem>>) dst(%dma_wait3A_57 : memref<6272xf32, #tpu.memory_space<hbm>>)
        tpu.yield
      }) : () -> ()
      "tpu.region"() ({
        %run_scoped3A = tpu.sem_alloc : memref<!tpu.dma_semaphore, #tpu.memory_space<semaphore_mem>>
        %dma_start3A = tpu.memref_slice %arg7[%mul3A_2] : memref<200000xf32, #tpu.memory_space<hbm>> -> memref<6272xf32, #tpu.memory_space<hbm>>
        %dma_start3A_55 = tpu.memref_slice %arg7[%mul3A_2] : memref<200000xf32, #tpu.memory_space<hbm>> -> memref<6272xf32, #tpu.memory_space<hbm>>
        tpu.enqueue_dma source(%arg20 : memref<6272xf32, #tpu.memory_space<vmem>>) target(%dma_start3A_55 : memref<6272xf32, #tpu.memory_space<hbm>>) target_semaphore(%run_scoped3A : memref<!tpu.dma_semaphore, #tpu.memory_space<semaphore_mem>>)
        %dma_wait3A_56 = tpu.memref_slice %arg7[%mul3A_2] : memref<200000xf32, #tpu.memory_space<hbm>> -> memref<6272xf32, #tpu.memory_space<hbm>>
        %dma_wait3A_57 = tpu.memref_slice %arg7[%mul3A_2] : memref<200000xf32, #tpu.memory_space<hbm>> -> memref<6272xf32, #tpu.memory_space<hbm>>
        tpu.wait_dma2 semaphore(%run_scoped3A : memref<!tpu.dma_semaphore, #tpu.memory_space<semaphore_mem>>) src(%arg20 : memref<6272xf32, #tpu.memory_space<vmem>>) dst(%dma_wait3A_57 : memref<6272xf32, #tpu.memory_space<hbm>>)
        tpu.yield
      }) : () -> ()
      "tpu.region"() ({
        %run_scoped3A = tpu.sem_alloc : memref<!tpu.dma_semaphore, #tpu.memory_space<semaphore_mem>>
        %dma_start3A = tpu.memref_slice %arg8[%mul3A_2] : memref<200000xf32, #tpu.memory_space<hbm>> -> memref<6272xf32, #tpu.memory_space<hbm>>
        %dma_start3A_55 = tpu.memref_slice %arg8[%mul3A_2] : memref<200000xf32, #tpu.memory_space<hbm>> -> memref<6272xf32, #tpu.memory_space<hbm>>
        tpu.enqueue_dma source(%arg21 : memref<6272xf32, #tpu.memory_space<vmem>>) target(%dma_start3A_55 : memref<6272xf32, #tpu.memory_space<hbm>>) target_semaphore(%run_scoped3A : memref<!tpu.dma_semaphore, #tpu.memory_space<semaphore_mem>>)
        %dma_wait3A_56 = tpu.memref_slice %arg8[%mul3A_2] : memref<200000xf32, #tpu.memory_space<hbm>> -> memref<6272xf32, #tpu.memory_space<hbm>>
        %dma_wait3A_57 = tpu.memref_slice %arg8[%mul3A_2] : memref<200000xf32, #tpu.memory_space<hbm>> -> memref<6272xf32, #tpu.memory_space<hbm>>
        tpu.wait_dma2 semaphore(%run_scoped3A : memref<!tpu.dma_semaphore, #tpu.memory_space<semaphore_mem>>) src(%arg21 : memref<6272xf32, #tpu.memory_space<vmem>>) dst(%dma_wait3A_57 : memref<6272xf32, #tpu.memory_space<hbm>>)
        tpu.yield
      }) : () -> ()
    } else {
    }
    %eq3A = arith.constant 31 : i32
    %eq3A_51 = arith.cmpi eq, %add3A, %eq3A : i32
    %convert_element_type3A_52 = arith.extui %eq3A_51 : i1 to i32
    %cond3A_53 = arith.constant 0 : i32
    %cond3A_54 = arith.cmpi ne, %convert_element_type3A_52, %cond3A_53 : i32
    scf.if %cond3A_54 {
      "tpu.region"() ({
        %run_scoped3A = tpu.sem_alloc : memref<!tpu.dma_semaphore, #tpu.memory_space<semaphore_mem>>
        %dma_start3A = arith.constant 0 : i32
        %dma_start3A_55 = tpu.memref_slice %arg19[%dma_start3A] : memref<6272xf32, #tpu.memory_space<vmem>> -> memref<5568xf32, #tpu.memory_space<vmem>>
        %dma_start3A_56 = tpu.memref_slice %arg6[%mul3A_2] : memref<200000xf32, #tpu.memory_space<hbm>> -> memref<5568xf32, #tpu.memory_space<hbm>>
        %dma_start3A_57 = tpu.memref_slice %arg6[%mul3A_2] : memref<200000xf32, #tpu.memory_space<hbm>> -> memref<5568xf32, #tpu.memory_space<hbm>>
        %dma_start3A_58 = arith.constant 0 : i32
        %dma_start3A_59 = tpu.memref_slice %arg19[%dma_start3A_58] : memref<6272xf32, #tpu.memory_space<vmem>> -> memref<5568xf32, #tpu.memory_space<vmem>>
        tpu.enqueue_dma source(%dma_start3A_59 : memref<5568xf32, #tpu.memory_space<vmem>>) target(%dma_start3A_57 : memref<5568xf32, #tpu.memory_space<hbm>>) target_semaphore(%run_scoped3A : memref<!tpu.dma_semaphore, #tpu.memory_space<semaphore_mem>>)
        %dma_wait3A_60 = arith.constant 0 : i32
        %dma_wait3A_61 = tpu.memref_slice %arg19[%dma_wait3A_60] : memref<6272xf32, #tpu.memory_space<vmem>> -> memref<5568xf32, #tpu.memory_space<vmem>>
        %dma_wait3A_62 = tpu.memref_slice %arg6[%mul3A_2] : memref<200000xf32, #tpu.memory_space<hbm>> -> memref<5568xf32, #tpu.memory_space<hbm>>
        %dma_wait3A_63 = tpu.memref_slice %arg6[%mul3A_2] : memref<200000xf32, #tpu.memory_space<hbm>> -> memref<5568xf32, #tpu.memory_space<hbm>>
        %dma_wait3A_64 = arith.constant 0 : i32
        %dma_wait3A_65 = tpu.memref_slice %arg19[%dma_wait3A_64] : memref<6272xf32, #tpu.memory_space<vmem>> -> memref<5568xf32, #tpu.memory_space<vmem>>
        tpu.wait_dma2 semaphore(%run_scoped3A : memref<!tpu.dma_semaphore, #tpu.memory_space<semaphore_mem>>) src(%dma_wait3A_65 : memref<5568xf32, #tpu.memory_space<vmem>>) dst(%dma_wait3A_63 : memref<5568xf32, #tpu.memory_space<hbm>>)
        tpu.yield
      }) : () -> ()
      "tpu.region"() ({
        %run_scoped3A = tpu.sem_alloc : memref<!tpu.dma_semaphore, #tpu.memory_space<semaphore_mem>>
        %dma_start3A = arith.constant 0 : i32
        %dma_start3A_55 = tpu.memref_slice %arg20[%dma_start3A] : memref<6272xf32, #tpu.memory_space<vmem>> -> memref<5568xf32, #tpu.memory_space<vmem>>
        %dma_start3A_56 = tpu.memref_slice %arg7[%mul3A_2] : memref<200000xf32, #tpu.memory_space<hbm>> -> memref<5568xf32, #tpu.memory_space<hbm>>
        %dma_start3A_57 = tpu.memref_slice %arg7[%mul3A_2] : memref<200000xf32, #tpu.memory_space<hbm>> -> memref<5568xf32, #tpu.memory_space<hbm>>
        %dma_start3A_58 = arith.constant 0 : i32
        %dma_start3A_59 = tpu.memref_slice %arg20[%dma_start3A_58] : memref<6272xf32, #tpu.memory_space<vmem>> -> memref<5568xf32, #tpu.memory_space<vmem>>
        tpu.enqueue_dma source(%dma_start3A_59 : memref<5568xf32, #tpu.memory_space<vmem>>) target(%dma_start3A_57 : memref<5568xf32, #tpu.memory_space<hbm>>) target_semaphore(%run_scoped3A : memref<!tpu.dma_semaphore, #tpu.memory_space<semaphore_mem>>)
        %dma_wait3A_60 = arith.constant 0 : i32
        %dma_wait3A_61 = tpu.memref_slice %arg20[%dma_wait3A_60] : memref<6272xf32, #tpu.memory_space<vmem>> -> memref<5568xf32, #tpu.memory_space<vmem>>
        %dma_wait3A_62 = tpu.memref_slice %arg7[%mul3A_2] : memref<200000xf32, #tpu.memory_space<hbm>> -> memref<5568xf32, #tpu.memory_space<hbm>>
        %dma_wait3A_63 = tpu.memref_slice %arg7[%mul3A_2] : memref<200000xf32, #tpu.memory_space<hbm>> -> memref<5568xf32, #tpu.memory_space<hbm>>
        %dma_wait3A_64 = arith.constant 0 : i32
        %dma_wait3A_65 = tpu.memref_slice %arg20[%dma_wait3A_64] : memref<6272xf32, #tpu.memory_space<vmem>> -> memref<5568xf32, #tpu.memory_space<vmem>>
        tpu.wait_dma2 semaphore(%run_scoped3A : memref<!tpu.dma_semaphore, #tpu.memory_space<semaphore_mem>>) src(%dma_wait3A_65 : memref<5568xf32, #tpu.memory_space<vmem>>) dst(%dma_wait3A_63 : memref<5568xf32, #tpu.memory_space<hbm>>)
        tpu.yield
      }) : () -> ()
      "tpu.region"() ({
        %run_scoped3A = tpu.sem_alloc : memref<!tpu.dma_semaphore, #tpu.memory_space<semaphore_mem>>
        %dma_start3A = arith.constant 0 : i32
        %dma_start3A_55 = tpu.memref_slice %arg21[%dma_start3A] : memref<6272xf32, #tpu.memory_space<vmem>> -> memref<5568xf32, #tpu.memory_space<vmem>>
        %dma_start3A_56 = tpu.memref_slice %arg8[%mul3A_2] : memref<200000xf32, #tpu.memory_space<hbm>> -> memref<5568xf32, #tpu.memory_space<hbm>>
        %dma_start3A_57 = tpu.memref_slice %arg8[%mul3A_2] : memref<200000xf32, #tpu.memory_space<hbm>> -> memref<5568xf32, #tpu.memory_space<hbm>>
        %dma_start3A_58 = arith.constant 0 : i32
        %dma_start3A_59 = tpu.memref_slice %arg21[%dma_start3A_58] : memref<6272xf32, #tpu.memory_space<vmem>> -> memref<5568xf32, #tpu.memory_space<vmem>>
        tpu.enqueue_dma source(%dma_start3A_59 : memref<5568xf32, #tpu.memory_space<vmem>>) target(%dma_start3A_57 : memref<5568xf32, #tpu.memory_space<hbm>>) target_semaphore(%run_scoped3A : memref<!tpu.dma_semaphore, #tpu.memory_space<semaphore_mem>>)
        %dma_wait3A_60 = arith.constant 0 : i32
        %dma_wait3A_61 = tpu.memref_slice %arg21[%dma_wait3A_60] : memref<6272xf32, #tpu.memory_space<vmem>> -> memref<5568xf32, #tpu.memory_space<vmem>>
        %dma_wait3A_62 = tpu.memref_slice %arg8[%mul3A_2] : memref<200000xf32, #tpu.memory_space<hbm>> -> memref<5568xf32, #tpu.memory_space<hbm>>
        %dma_wait3A_63 = tpu.memref_slice %arg8[%mul3A_2] : memref<200000xf32, #tpu.memory_space<hbm>> -> memref<5568xf32, #tpu.memory_space<hbm>>
        %dma_wait3A_64 = arith.constant 0 : i32
        %dma_wait3A_65 = tpu.memref_slice %arg21[%dma_wait3A_64] : memref<6272xf32, #tpu.memory_space<vmem>> -> memref<5568xf32, #tpu.memory_space<vmem>>
        tpu.wait_dma2 semaphore(%run_scoped3A : memref<!tpu.dma_semaphore, #tpu.memory_space<semaphore_mem>>) src(%dma_wait3A_65 : memref<5568xf32, #tpu.memory_space<vmem>>) dst(%dma_wait3A_63 : memref<5568xf32, #tpu.memory_space<hbm>>)
        tpu.yield
      }) : () -> ()
    } else {
    }
    return
  }
}

</mosaic_0001>

<sc_bundles>
// kernel: kernel.3.cloned.1.call-start
scs
__scs_entry_jumppad:
0x0: {  	(pc) =	sbr.rel $0x88, $3  }
0x1: {  	(tag) =	ssettag $0x0;
	lr =	simm.s32 $0x1  }
0x2: {  	[smem:$0x3F9F] =	sst lr;
	_ =	strace $0xD0000000  }
0x3: {  	_ = 	snop  }
0x4: {  	_ = 	snop  }
0x5: {  	_ = 	snop  }
0x6: {  	_ = 	snop  }
0x7: {  	_ = 	snop  }
__scs_overlays_trampoline_lowered:
0x8: {  	[smem:$0x3FAE] =	sst s0  }
0x9: {  	[smem:$0x3FAF] =	sst s1  }
0xa: {  	[smem:$0x3FB0] =	sst s2  }
0xb: {  	[smem:$0x3FB1] =	sst s3  }
0xc: {  	[smem:$0x3FB2] =	sst s4  }
0xd: {  	[smem:$0x3FB3] =	sst s5  }
0xe: {  	[smem:$0x3FB4] =	sst s6  }
0xf: {  	[smem:$0x3FB5] =	sst s7  }
0x10: {  	[smem:$0x3FB6] =	sst s8  }
0x11: {  	[smem:$0x3FB7] =	sst s9;
	s0 =	simm.s32 @!p0 $0x0  }
0x12: {  	s1 =	sld [smem:$0x3F9D];
	s0 =	simm.s32 @p0 $0x1  }
0x13: {  	[smem:$0x3FB8] =	sst s0;
	s0 =	simm.s32 @!p1 $0x0  }
0x14: {  	s2 =	sld [smem:$0x3F9C];
	s0 =	simm.s32 @p1 $0x1  }
0x15: {  	[smem:$0x3FB9] =	sst s0;
	s0 =	simm.s32 @!p2 $0x0  }
0x16: {  	s3 =	sld [smem:$0x3FDB];
	s0 =	simm.s32 @p2 $0x1  }
0x17: {  	s4 =	simm.s32 $0x1BF5;
	[smem:$0x3FBB] =	sst s0  }
0x18: {  	s0 =	sld [smem:$0x3F9E];
	_ =	swait.ge [sflag:s4], $0x0  }
0x19: {  	s7 =	sld [smem:$0x3F9F]  }
0x1a: {  	s8 =	sadd.s32 $0xFFFFE003, lr  }
0x1b: {  	s9 =	sadd.s32 $0xFFFFFEF7, lr;
	s5 =	simm.s32 $0xFFFFFFFF;
	p2 =	slt.u32 s8, $0xFFFFF086  }
0x1c: {  	p1 =	slt.u32 s9, $0xF7A;
	s5 =	simm.s32 @!p2 $0x0  }
0x1d: {  	s5 =	simm.s32 @p1 $0x1;
	p0 =	seq.s32 s7, s2  }
0x1e: {  	s7 =	smul.u32 @!p0 $0xF7A, s2;
	p2 =	seq.s32 @!p0 s5, $0x0  }
0x1f: {  	s9 =	smul.u32 $0xF7A, s1;
	s8 =	simm.s32 @!p0 $0x1BF5;
	p2 =	por !p2, p0  }
0x20: {  	[sflag:s8] =	ssyncset.s32 @!p0 $0xFFFFF086;
	s6 =	sadd.s32 @!p0 s3, s7;
	s7 =	simm.s32 @!p0 $0x108  }
0x21: {  	s3 =	sadd.s32 s3, s9;
	s6 =	sadd.s32 @!p0 $0x88, s6;
	s7 =	simm.s32 @p2 $0x1082  }
0x22: {  	[simem:s7], [sflag:s8] =	dma.local @!p0 [hbm:s6], $0xF7A  }
0x23: {  	s9 =	sor.u32 $0xD0000000, s2;
	s6 =	simm.s32 $0x108;
	_ =	swait.ge @!p0 [sflag:s8], $0x0  }
0x24: {  	s3 =	sadd.s32 $0x88, s3;
	s6 =	simm.s32 @!p1 $0x1082;
	[sflag:s4] =	ssyncset.s32 $0xFFFFF086  }
0x25: {  	[simem:s6], [sflag:s4] =	dma.local [hbm:s3], $0xF7A  }
0x26: {  	[smem:$0x3F9F] =	sst s1;
	(tag) =	ssettag s2;
	_ =	strace s9  }
0x27: {  	s1 =	sld [smem:$0x3FAF]  }
0x28: {  	s2 =	sld [smem:$0x3FB0]  }
0x29: {  	s4 =	sld [smem:$0x3FB2]  }
0x2a: {  	p0 =	seq.s32 s5, $0x0;
	s5 =	sld [smem:$0x3FB3]  }
0x2b: {  	s6 =	sld [smem:$0x3FB4]  }
0x2c: {  	s7 =	sld [smem:$0x3FB5]  }
0x2d: {  	s3 =	simm.s32 $0x108;
	s8 =	sld [smem:$0x3FB6]  }
0x2e: {  	s3 =	simm.s32 @!p0 $0x1082;
	s9 =	sld [smem:$0x3FB7]  }
0x2f: {  	lr =	sadd.s32 s0, s3;
	s0 =	sld [smem:$0x3FAE]  }
0x30: {  	s3 =	sld [smem:$0x3FB1]  }
0x31: {  	[smem:$0x3FBA] =	sst s10  }
0x32: {  	s10 =	sld [smem:$0x3FB8];
	_ =	sdelay $0x3  }
0x33: {  	p0 =	seq.s32 s10, $0x1;
	s10 =	sld [smem:$0x3FBA];
	_ =	sdelay $0x3  }
0x34: {  	[smem:$0x3FBA] =	sst s10  }
0x35: {  	s10 =	sld [smem:$0x3FB9];
	_ =	sdelay $0x3  }
0x36: {  	p1 =	seq.s32 s10, $0x1;
	s10 =	sld [smem:$0x3FBA];
	_ =	sdelay $0x3  }
0x37: {  	[smem:$0x3FBA] =	sst s10  }
0x38: {  	s10 =	sld [smem:$0x3FBB]  }
0x39: {  	_ = 	snop;
	(pc) =	sbr.ind lr, $3  }
0x3a: {  	_ = 	snop  }
0x3b: {  	_ = 	snop  }
0x3c: {  	p2 =	seq.s32 s10, $0x1;
	s10 =	sld [smem:$0x3FBA]  }
0x3d: {  	_ =	shalt  }
0x3e: {  	_ =	shalt  }
0x3f: {  	_ =	shalt  }
0x40: {  	_ =	shalt  }
0x41: {  	_ =	shalt  }
0x42: {  	_ =	shalt  }
0x43: {  	_ =	shalt  }
0x44: {  	_ =	shalt  }
0x45: {  	_ =	shalt  }
0x46: {  	_ =	shalt  }
0x47: {  	_ =	shalt  }
0x48: {  	_ =	shalt  }
0x49: {  	_ =	shalt  }
0x4a: {  	_ =	shalt  }
0x4b: {  	_ =	shalt  }
0x4c: {  	_ =	shalt  }
0x4d: {  	_ =	shalt  }
0x4e: {  	_ =	shalt  }
0x4f: {  	_ =	shalt  }
0x50: {  	_ =	shalt  }
0x51: {  	_ =	shalt  }
0x52: {  	_ =	shalt  }
0x53: {  	_ =	shalt  }
0x54: {  	_ =	shalt  }
0x55: {  	_ =	shalt  }
0x56: {  	_ =	shalt  }
0x57: {  	_ =	shalt  }
0x58: {  	_ =	shalt  }
0x59: {  	_ =	shalt  }
0x5a: {  	_ =	shalt  }
0x5b: {  	_ =	shalt  }
0x5c: {  	_ =	shalt  }
0x5d: {  	_ =	shalt  }
0x5e: {  	_ =	shalt  }
0x5f: {  	_ =	shalt  }
0x60: {  	_ =	shalt  }
0x61: {  	_ =	shalt  }
0x62: {  	_ =	shalt  }
0x63: {  	_ =	shalt  }
0x64: {  	_ =	shalt  }
0x65: {  	_ =	shalt  }
0x66: {  	_ =	shalt  }
0x67: {  	_ =	shalt  }
0x68: {  	_ =	shalt  }
0x69: {  	_ =	shalt  }
0x6a: {  	_ =	shalt  }
0x6b: {  	_ =	shalt  }
0x6c: {  	_ =	shalt  }
0x6d: {  	_ =	shalt  }
0x6e: {  	_ =	shalt  }
0x6f: {  	_ =	shalt  }
0x70: {  	_ =	shalt  }
0x71: {  	_ =	shalt  }
0x72: {  	_ =	shalt  }
0x73: {  	_ =	shalt  }
0x74: {  	_ =	shalt  }
0x75: {  	_ =	shalt  }
0x76: {  	_ =	shalt  }
0x77: {  	_ =	shalt  }
0x78: {  	_ =	shalt  }
0x79: {  	_ =	shalt  }
0x7a: {  	_ =	shalt  }
0x7b: {  	_ =	shalt  }
0x7c: {  	_ =	shalt  }
0x7d: {  	_ =	shalt  }
0x7e: {  	_ =	shalt  }
0x7f: {  	_ =	shalt  }
0x80: {  	_ =	shalt  }
0x81: {  	_ =	shalt  }
0x82: {  	_ =	shalt  }
0x83: {  	_ =	shalt  }
0x84: {  	_ =	shalt  }
0x85: {  	_ =	shalt  }
0x86: {  	_ =	shalt  }
0x87: {  	_ =	shalt  }
.Lfunc_end0:
.L_simem_size_0:
called_computation_lowered:
.L_overlay_start_0:
0x88: {  	s2 =	sld [smem:$0x3FD9]  }
0x89: {  	s3 =	sld [smem:$0x3FFE];
	_ =	sdelay $0x1  }
0x8a: {  	s1 =	srdreg.scid  }
0x8b: {  	s0 =	sand.u32 $0x1, s1  }
0x8c: {  	s17 =	sshll.u32 s0, $0xA;
	s2 =	sadd.s32 s3, s2  }
0x8d: {  	s2 =	sadd.s32 s2, s17  }
0x8e: {  	[smem:$0x3FC6] =	sst s2  }
0x8f: {  	_ = 	snop  }
0x90: {  	s2 =	sld [smem:$0x3FD0];
	(tm) =	ssettm $0x1  }
0x91: {  	s18 =	sld [smem:$0x3FFB];
	_ =	sdelay $0x3  }
0x92: {  	_ =	strace s18  }
0x93: {  	s3 =	sld [smem:$0x3FFC];
	_ =	sdelay $0x3  }
0x94: {  	_ =	strace s3  }
0x95: {  	s3 =	sld [smem:$0x3FFD];
	_ =	sdelay $0x3  }
0x96: {  	_ =	strace s3  }
0x97: {  	_ =	strace $0x8FFFFFFF  }
0x98: {  	s19 =	sld [smem:$0x3FDB];
	_ =	sdelay $0x1  }
0x99: {  	s4 =	simm.s32 $_scs_section_size  }
0x9a: {  	s5 =	simm.s32 $_size__tile_overlayer_lowered;
	s6 =	simm.s32 $_tile_overlayer_lowered  }
0x9b: {  	s22 =	simm.s32 $0x1BFF;
	s21 =	sshll.u32 s6, $0x1;
	s3 =	sadd.s32 s4, s19  }
0x9c: {  	s7 =	simm.s32 $0x0;
	s20 =	sshll.u32 s5, $0x1;
	s5 =	sadd.s32 s21, s3  }
0x9d: {  	[timem:s7], [sflag:s22] =	dma.local [hbm:s5], s20  }
0x9e: {  	_ =	swait.ge [sflag:s22], s20  }
0x9f: {  	s4 =	ssub.s32 $0x0, s20;
	[sflag:s22] =	ssyncset.done $0x0  }
0xa0: {  	[sflag:s22] =	ssyncadd.s32 s4;
	_ =	sdelay $0x1  }
0xa1: {  	s23 =	simm.s32 $0x1B8B  }
0xa2: {  	_ =	swait.ge [sflag:s23], $0x1  }
0xa3: {  	[sflag:s23] =	ssyncset.done $0x0  }
0xa4: {  	s25 =	simm.s32 $0x1B8E;
	s24 =	sld [smem:$0x3FFE];
	[sflag:s23] =	ssyncadd.s32 $0xFFFFFFFF  }
0xa5: {  	s26 =	simm.s32 $execute0_lowered;
	[smem:$0x3FD2] =	sst s25  }
0xa6: {  	s5 =	sshll.u32 s26, $0x1;
	_ =	strace $0x80000046;
	[dreg:$0x1] =	wrdreg $0xFFFFFFFF  }
0xa7: {  	s28 =	simm.s32 $_size_execute0_lowered;
	s3 =	sadd.s32 s3, s5;
	[dreg:$0x0] =	wrdreg $0x0  }
0xa8: {  	s5 =	sshll.u32 s28, $0x1;
	[dreg:$0x2] =	wrdreg s3  }
0xa9: {  	[dreg:$0x3] =	wrdreg s5  }
0xaa: {  	[dreg:$0x4] =	wrdreg $0xC0  }
0xab: {  	_ =	task [dreg:s7], $0x5FFFF  }
0xac: {  	[dreg:$0x1] =	wrdreg $0xFFFFFFFF  }
0xad: {  	[dreg:$0x0] =	wrdreg $0x60  }
0xae: {  	[dreg:$0x2] =	wrdreg s24  }
0xaf: {  	[dreg:$0x3] =	wrdreg s2  }
0xb0: {  	[dreg:$0x4] =	wrdreg $0x9  }
0xb1: {  	_ =	task.clear_ibuf [dreg:s7], $0x5FFFF;
	_ =	strace $0x90000046  }
0xb2: {  	s29 =	simm.s32 $0x9;
	_ =	strace $0x80000048  }
0xb3: {  	_ =	swait.ge [sflag:s29], $0x1  }
0xb4: {  	[sflag:s29] =	ssyncadd.s32 $0xFFFFFFFF  }
0xb5: {  	_ =	strace $0x90000048  }
0xb6: {  	_ =	sfence  }
0xb7: {  	s30 =	sld [smem:$0x0];
	_ =	sdelay $0x2  }
0xb8: {  	s31 =	sshll.u32 s1, $0xD;
	s1 =	sshrl.u32 s1, $0x2  }
0xb9: {  	s3 =	sand.u32 $0x4000, s31;
	s1 =	sadd.s32 s1, s30  }
0xba: {  	s0 =	sor.u32 s3, s0;
	s1 =	sshll.u32 s1, $0x11  }
0xbb: {  	s0 =	sor.u32 s1, s0  }
0xbc: {  	s0 =	sadd.s32 $0x8F2B, s0  }
0xbd: {  	[sflag:s0] =	ssyncadd.remote.s32 $0x1  }
0xbe: {  	_ =	sfence.sel $0xFFFF  }
0xbf: {  	[dreg:$0x0] =	wrdreg $0xFFFFFFFF;
	(pc) =	sbr.abs _section_cstart, $3  }
0xc0: {  	[dreg:$0x1] =	wrdreg $0xFFFFFFFF  }
0xc1: {  	_ =	task.clear_ibuf [dreg:s7], $0x2FFFF;
	_ =	strace $0x9FFFFFFF  }
0xc2: {  	(tm) =	ssettm $0x7FFFFFFF  }
0xc3: {  	_ =	shalt  }
tec
execute0_lowered:
.L_overlay_start_1:
0x0: {  	(tag) =	ssettag $0x1  }
0x1: {  	s2 =	rddreg [dreg:$0x0];
	s1 =	srdreg.scid  }
0x2: {  	s0 =	stileid.u32;
	s6 =	rddreg [dreg:$0x1];
	s3 =	simm.s32 $0x0  }
0x3: {  	s14 =	simm.s32 $0x2;
	s15 =	simm.s32 $0x80;
	s16 =	simm.s32 $0x1  }
0x4: {  	s4 =	sand.u32 $0x1, s1;
	s5 =	sshll.u32 s0, $0x1;
	s1 =	rddreg [dreg:$0x2]  }
0x5: {  	[smem:$0x7FF] =	sst s3;
	s12 =	sadd.s32 $0x1B8F0, s2;
	s17 =	sor.u32 s4, s5  }
0x6: {  	_ =	strace $0x80000047;
	s8 =	ssub.s32 $0x2, s4;
	s7 =	smul.u32 $0x310, s17  }
0x7: {  	s4 =	sadd.s32 $0x6400, s2;
	s5 =	sadd.s32 $0x3200, s2;
	s9 =	smul.u32 $0x980, s17  }
0x8: {  	s10 =	sshrl.u32 s8, $0x1;
	p0 =	seq.s32 s17, $0x1F;
	s17 =	simm.s32 $0x0  }
0x9: {  	s13 =	ssub.s32 s8, s10;
	s10 =	sadd.s32 $0xF4F0, s2;
	s11 =	sadd.s32 s7, s2  }
0xa: {  	s6 =	sadd.s32 s6, s9;
	s13 =	smax.u32 s13, $0x1;
	s7 =	sadd.s32 $0x9600, s11  }
0xb: {  	s8 =	sadd.s32 $0xF800, s11;
	s9 =	sadd.s32 $0x15A00, s11;
	s11 =	sadd.s32 $0x156F0, s2  }
.LBB2_1:
0xc: {  	[tilespmem:s3], [sflag:$0x2] =	stream.linear.gather [hbm4b:s6+s3], $0x4980, $0x38;
	[tilespmem:$0x17200] =	vst v63  }
0xd: {  	_ =	swait.ge [sflag:s14], $0x4980  }
0xe: {  	[sflag:s14] =	ssyncset.done $0x0  }
0xf: {  	s18 =	simm.s32 $0x0;
	s19 =	simm.s32 $0x4C00;
	[sflag:s14] =	ssyncadd.s32 $0xFFFFB680  }
0x10: {  	[tilespmem:s19], [sflag:$0x1] =	stream.indirect.gather [hbm4b:s4+s15], $0x1, s18, s15, $0xb8;
	[tilespmem:$0x17200] =	vst v63  }
0x11: {  	s23 =	simm.s32 $0x6480  }
0x12: {  	[tilespmem:s23], [sflag:$0x1] =	stream.indirect.gather [hbm4b:s5+s15], $0x1, s18, s15, $0xb8;
	[tilespmem:$0x17200] =	vst v63  }
0x13: {  	s24 =	simm.s32 $0x7D00  }
0x14: {  	[tilespmem:s24], [sflag:$0x1] =	stream.indirect.gather [hbm4b:s2+s15], $0x1, s18, s15, $0xb8;
	[tilespmem:$0x17200] =	vst v63  }
0x15: {  	s25 =	simm.s32 $0x9580;
	s26 =	simm.s32 $0x1880  }
0x16: {  	[tilespmem:s25], [sflag:$0x1] =	stream.indirect.gather [hbm4b:s4+s15], $0x1, s26, s15, $0xb8;
	[tilespmem:$0x17200] =	vst v63  }
0x17: {  	s28 =	simm.s32 $0xAE00  }
0x18: {  	[tilespmem:s28], [sflag:$0x1] =	stream.indirect.gather [hbm4b:s5+s15], $0x1, s26, s15, $0xb8;
	[tilespmem:$0x17200] =	vst v63  }
0x19: {  	s29 =	simm.s32 $0xC680  }
0x1a: {  	[tilespmem:s29], [sflag:$0x1] =	stream.indirect.gather [hbm4b:s2+s15], $0x1, s26, s15, $0xb8;
	[tilespmem:$0x17200] =	vst v63  }
0x1b: {  	s30 =	simm.s32 $0xDF00;
	s31 =	simm.s32 $0xF780;
	s19 =	simm.s32 $0x3100  }
0x1c: {  	[tilespmem:s30], [sflag:$0x1] =	stream.indirect.gather [hbm4b:s4+s15], $0x1, s19, s15, $0xb8;
	[tilespmem:$0x17200] =	vst v63  }
0x1d: {  	s20 =	simm.s32 $0x400;
	s21 =	simm.s32 $0x11000;
	s18 =	simm.s32 $0x80  }
0x1e: {  	[tilespmem:s31], [sflag:$0x1] =	stream.indirect.gather [hbm4b:s5+s15], $0x1, s19, s15, $0xb8;
	[tilespmem:$0x17200] =	vst v63  }
.LBB2_2:
0x1f: {  	[tilespmem:s21], [sflag:$0x1] =	stream.indirect.gather [hbm4b:s2+s15], $0x1, s19, s15, $0xb8;
	[tilespmem:$0x17200] =	vst v63  }
0x20: {  	s19 =	smov.u32 s20  }
0x21: {  	s23 =	sadd.s32 $0x200, s20;
	s22 =	sshra.s32 s19, $0x2;
	s19 =	sadd.s32 $0x4C00, s18  }
0x22: {  	[tilespmem:s19], [sflag:$0x1] =	stream.indirect.gather [hbm4b:s4+s15], $0x1, s18, s15, $0xb8;
	[tilespmem:$0x17200] =	vst v63  }
0x23: {  	p1 =	sne.s32 s20, $0x6000;
	s19 =	sadd.s32 $0x6480, s18  }
0x24: {  	[tilespmem:s19], [sflag:$0x1] =	stream.indirect.gather [hbm4b:s5+s15], $0x1, s18, s15, $0xb8;
	[tilespmem:$0x17200] =	vst v63  }
0x25: {  	s19 =	sadd.s32 $0x7D00, s18  }
0x26: {  	[tilespmem:s19], [sflag:$0x1] =	stream.indirect.gather [hbm4b:s2+s15], $0x1, s18, s15, $0xb8;
	[tilespmem:$0x17200] =	vst v63  }
0x27: {  	s20 =	sadd.s32 $0x1880, s18;
	s19 =	sadd.s32 $0x9580, s18  }
0x28: {  	[tilespmem:s19], [sflag:$0x1] =	stream.indirect.gather [hbm4b:s4+s15], $0x1, s20, s15, $0xb8;
	[tilespmem:$0x17200] =	vst v63  }
0x29: {  	s19 =	sadd.s32 $0xAE00, s18  }
0x2a: {  	[tilespmem:s19], [sflag:$0x1] =	stream.indirect.gather [hbm4b:s5+s15], $0x1, s20, s15, $0xb8;
	[tilespmem:$0x17200] =	vst v63  }
0x2b: {  	s19 =	sadd.s32 $0xC680, s18  }
0x2c: {  	[tilespmem:s19], [sflag:$0x1] =	stream.indirect.gather [hbm4b:s2+s15], $0x1, s20, s15, $0xb8;
	[tilespmem:$0x17200] =	vst v63  }
.Ltmp0:
0x2d: {  	s20 =	sadd.s32 $0xDF00, s18;
	s19 =	sadd.s32 $0x3100, s18;
	(pc) =	sbr.rel @p1 .LBB2_2-.Ltmp0, $4  }
0x2e: {  	[tilespmem:s20], [sflag:$0x1] =	stream.indirect.gather [hbm4b:s4+s15], $0x1, s19, s15, $0xb8;
	[tilespmem:$0x17200] =	vst v63  }
0x2f: {  	s20 =	sadd.s32 $0xF780, s18  }
0x30: {  	[tilespmem:s20], [sflag:$0x1] =	stream.indirect.gather [hbm4b:s5+s15], $0x1, s19, s15, $0xb8;
	[tilespmem:$0x17200] =	vst v63  }
0x31: {  	s21 =	sadd.s32 $0x11000, s18;
	s18 =	smov.u32 s22;
	s20 =	smov.u32 s23  }
0x32: {  	[tilespmem:s21], [sflag:$0x1] =	stream.indirect.gather [hbm4b:s2+s15], $0x1, s19, s15, $0xb8;
	[tilespmem:$0x17200] =	vst v63  }
0x33: {  	s21 =	sadd.s32 $0x4C00, s18  }
0x34: {  	[tilespmem:s21], [sflag:$0x1] =	stream.indirect.gather [hbm4b:s4+s15], $0x1, s18, s15, $0xb8;
	[tilespmem:$0x17200] =	vst v63  }
0x35: {  	s22 =	sadd.s32 $0x6480, s18  }
0x36: {  	[tilespmem:s22], [sflag:$0x1] =	stream.indirect.gather [hbm4b:s5+s15], $0x1, s18, s15, $0xb8;
	[tilespmem:$0x17200] =	vst v63  }
0x37: {  	s23 =	sadd.s32 $0x7D00, s18  }
0x38: {  	[tilespmem:s23], [sflag:$0x1] =	stream.indirect.gather [hbm4b:s2+s15], $0x1, s18, s15, $0xb8;
	[tilespmem:$0x17200] =	vst v63  }
0x39: {  	s24 =	sadd.s32 $0x9580, s18;
	s20 =	sadd.s32 $0x1880, s18  }
0x3a: {  	[tilespmem:s24], [sflag:$0x1] =	stream.indirect.gather [hbm4b:s4+s15], $0x1, s20, s15, $0xb8;
	[tilespmem:$0x17200] =	vst v63  }
0x3b: {  	s25 =	sadd.s32 $0xAE00, s18  }
0x3c: {  	[tilespmem:s25], [sflag:$0x1] =	stream.indirect.gather [hbm4b:s5+s15], $0x1, s20, s15, $0xb8;
	[tilespmem:$0x17200] =	vst v63  }
0x3d: {  	s26 =	sadd.s32 $0xC680, s18  }
0x3e: {  	[tilespmem:s26], [sflag:$0x1] =	stream.indirect.gather [hbm4b:s2+s15], $0x1, s20, s15, $0xb8;
	[tilespmem:$0x17200] =	vst v63  }
0x3f: {  	s28 =	sadd.s32 $0xDF00, s18;
	s29 =	sadd.s32 $0x3100, s18  }
0x40: {  	[tilespmem:s28], [sflag:$0x1] =	stream.indirect.gather [hbm4b:s4+s15], $0x1, s29, s15, $0xb8;
	[tilespmem:$0x17200] =	vst v63  }
0x41: {  	s30 =	sadd.s32 $0xF780, s18  }
0x42: {  	[tilespmem:s30], [sflag:$0x1] =	stream.indirect.gather [hbm4b:s5+s15], $0x1, s29, s15, $0xb8;
	[tilespmem:$0x17200] =	vst v63  }
0x43: {  	s31 =	sadd.s32 $0x11000, s18  }
0x44: {  	[tilespmem:s31], [sflag:$0x1] =	stream.indirect.gather [hbm4b:s2+s15], $0x1, s29, s15, $0xb8;
	[tilespmem:$0x17200] =	vst v63  }
0x45: {  	_ =	swait.ge [sflag:s16], $0x1880  }
0x46: {  	[sflag:s16] =	ssyncset.done $0x0  }
0x47: {  	[sflag:s16] =	ssyncadd.s32 $0xFFFFE780  }
0x48: {  	_ =	swait.ge [sflag:s16], $0x1880  }
0x49: {  	[sflag:s16] =	ssyncset.done $0x0  }
0x4a: {  	[sflag:s16] =	ssyncadd.s32 $0xFFFFE780  }
0x4b: {  	_ =	swait.ge [sflag:s16], $0x1880  }
0x4c: {  	[sflag:s16] =	ssyncset.done $0x0  }
0x4d: {  	[sflag:s16] =	ssyncadd.s32 $0xFFFFE780  }
0x4e: {  	_ =	swait.ge [sflag:s16], $0x1880  }
0x4f: {  	[sflag:s16] =	ssyncset.done $0x0  }
0x50: {  	[sflag:s16] =	ssyncadd.s32 $0xFFFFE780  }
0x51: {  	_ =	swait.ge [sflag:s16], $0x1880  }
0x52: {  	[sflag:s16] =	ssyncset.done $0x0  }
0x53: {  	[sflag:s16] =	ssyncadd.s32 $0xFFFFE780  }
0x54: {  	_ =	swait.ge [sflag:s16], $0x1880  }
0x55: {  	[sflag:s16] =	ssyncset.done $0x0  }
0x56: {  	[sflag:s16] =	ssyncadd.s32 $0xFFFFE780  }
0x57: {  	_ =	swait.ge [sflag:s16], $0x1880  }
0x58: {  	[sflag:s16] =	ssyncset.done $0x0  }
0x59: {  	[sflag:s16] =	ssyncadd.s32 $0xFFFFE780  }
0x5a: {  	_ =	swait.ge [sflag:s16], $0x1880  }
0x5b: {  	[sflag:s16] =	ssyncset.done $0x0  }
0x5c: {  	[sflag:s16] =	ssyncadd.s32 $0xFFFFE780  }
0x5d: {  	_ =	swait.ge [sflag:s16], $0x1880  }
0x5e: {  	[sflag:s16] =	ssyncset.done $0x0  }
0x5f: {  	s18 =	simm.s32 $0x0;
	[sflag:s16] =	ssyncadd.s32 $0xFFFFE780  }
0x60: {  	v0 =	vld [tilespmem:s18+$0x4C00]  }
0x61: {  	v1 =	vld [tilespmem:s18+$0x6480]  }
0x62: {  	v2 =	vld [tilespmem:s18+$0x7D00]  }
0x63: {  	v3 =	vld [tilespmem:s18+$0xAE00]  }
0x64: {  	v4 =	vld [tilespmem:s18+$0xC680]  }
0x65: {  	v5 =	vld [tilespmem:s18+$0xDF00]  }
0x66: {  	v6 =	vld [tilespmem:s18+$0x11000]  }
0x67: {  	v7 =	vld [tilespmem:s18+$0xF780]  }
0x68: {  	v8 =	vld [tilespmem:s18+$0x9580];
	_ =	sdelay $0x2  }
0x69: {  	v3 =	vsub.f32 v3, v1;
	v4 =	vsub.f32 v4, v2  }
0x6a: {  	v2 =	vsub.f32 v6, v2;
	v1 =	vsub.f32 v7, v1  }
0x6b: {  	v5 =	vsub.f32 v5, v0;
	v6 =	vsub.f32 v8, v0  }
0x6c: {  	s19 =	simm.s32 $0x10;
	v0 =	vmul.f32 v2, v3;
	v7 =	vmul.f32 v1, v4  }
0x6d: {  	v9 =	vld [tilespmem:s19+$0x11000];
	v4 =	vmul.f32 v5, v4;
	v2 =	vmul.f32 v2, v6  }
0x6e: {  	v10 =	vld [tilespmem:s19+$0xF780];
	v1 =	vmul.f32 v1, v6  }
0x6f: {  	v8 =	vld [tilespmem:s19+$0x4C00];
	v12 =	vsub.f32 v0, v7;
	v0 =	vsub.f32 v4, v2;
	v2 =	vmul.f32 v5, v3  }
0x70: {  	v7 =	vld [tilespmem:s19+$0x6480]  }
0x71: {  	v3 =	vld [tilespmem:s19+$0x7D00];
	v5 =	vmul.f32 v12, v12;
	v6 =	vmul.f32 v0, v0;
	v13 =	vsub.f32 v1, v2  }
0x72: {  	v4 =	vld [tilespmem:s19+$0xAE00]  }
0x73: {  	v1 =	vld [tilespmem:s19+$0xC680];
	v5 =	vadd.f32 v6, v5;
	v6 =	vmul.f32 v13, v13  }
0x74: {  	v2 =	vld [tilespmem:s19+$0xDF00]  }
0x75: {  	v11 =	vadd.f32 v5, v6;
	v5 =	vld [tilespmem:s19+$0x9580];
	_ =	sdelay $0x1  }
0x76: {  	v4 =	vsub.f32 v4, v7;
	v6 =	vshra.s32 v11, $0x1;
	v14 =	vmul.f32 $5.000000000e-01, v11  }
0x77: {  	v7 =	vsub.f32 v10, v7;
	v1 =	vsub.f32 v1, v3;
	v6 =	vsub.s32 $0x5F3759DF, v6  }
0x78: {  	v3 =	vsub.f32 v9, v3;
	v15 =	vmul.f32 v6, v14  }
0x79: {  	v9 =	vsub.f32 v2, v8;
	v10 =	vmul.f32 v7, v1;
	v2 =	vsub.f32 v5, v8  }
0x7a: {  	s20 =	simm.s32 $0x20;
	v8 =	vmul.f32 v3, v4;
	v5 =	vmul.f32 v6, v15  }
0x7b: {  	v17 =	vld [tilespmem:s20+$0x6480];
	v16 =	vmul.f32 v9, v1;
	v3 =	vmul.f32 v3, v2  }
0x7c: {  	v19 =	vld [tilespmem:s20+$0xDF00];
	v1 =	vsub.f32 v8, v10;
	v5 =	vsub.f32 $1.500000000e+00, v5  }
0x7d: {  	v15 =	vld [tilespmem:s20+$0x4C00];
	v7 =	vmul.f32 v7, v2;
	v2 =	vsub.f32 v16, v3;
	v3 =	vmul.f32 v9, v4  }
0x7e: {  	v8 =	vld [tilespmem:s20+$0x7D00];
	v4 =	vmul.f32 v6, v5  }
0x7f: {  	v9 =	vld [tilespmem:s20+$0xC680];
	v6 =	vmul.f32 v1, v1;
	v10 =	vmul.f32 v2, v2;
	v3 =	vsub.f32 v7, v3  }
0x80: {  	v5 =	vld [tilespmem:s20+$0xAE00];
	v7 =	vmul.f32 v4, v14  }
0x81: {  	v18 =	vld [tilespmem:s20+$0xF780];
	v6 =	vadd.f32 v10, v6;
	v10 =	vmul.f32 v3, v3  }
0x82: {  	v16 =	vld [tilespmem:s20+$0x11000];
	v7 =	vmul.f32 v7, v4  }
0x83: {  	v20 =	vld [tilespmem:s20+$0x9580];
	v21 =	vadd.f32 v6, v10  }
0x84: {  	v10 =	vsub.f32 v19, v15;
	v6 =	vsub.f32 $1.500000000e+00, v7  }
0x85: {  	v7 =	vsub.f32 v5, v17;
	v5 =	vsub.f32 v9, v8  }
0x86: {  	v9 =	vshra.s32 v21, $0x1;
	v22 =	vmul.f32 $5.000000000e-01, v21;
	v6 =	vmul.f32 v6, v4  }
0x87: {  	v4 =	vsub.f32 v16, v8;
	v8 =	vsub.f32 v18, v17;
	v9 =	vsub.s32 $0x5F3759DF, v9  }
0x88: {  	s21 =	simm.s32 $0x30;
	v15 =	vsub.f32 v20, v15;
	v16 =	vmul.f32 v9, v22;
	v14 =	vmul.f32 v6, v14  }
0x89: {  	v24 =	vld [tilespmem:s21+$0x7D00];
	v18 =	vmul.f32 v8, v5;
	v5 =	vmul.f32 v10, v5  }
0x8a: {  	v19 =	vld [tilespmem:s21+$0x4C00];
	v23 =	vmul.f32 v4, v15;
	v16 =	vmul.f32 v9, v16  }
0x8b: {  	v20 =	vld [tilespmem:s21+$0x6480];
	v17 =	vmul.f32 v4, v7;
	v14 =	vmul.f32 v14, v6  }
0x8c: {  	v8 =	vmul.f32 v8, v15;
	v15 =	vld [tilespmem:s21+$0xC680];
	v5 =	vsub.f32 v5, v23;
	v16 =	vsub.f32 $1.500000000e+00, v16  }
0x8d: {  	v7 =	vmul.f32 v10, v7;
	v4 =	vsub.f32 v17, v18;
	v17 =	vld [tilespmem:s21+$0xAE00];
	v14 =	vsub.f32 $1.500000000e+00, v14  }
0x8e: {  	v10 =	vld [tilespmem:s21+$0xDF00];
	v18 =	vmul.f32 v5, v5;
	v16 =	vmul.f32 v9, v16  }
0x8f: {  	v23 =	vld [tilespmem:s21+$0x11000];
	v9 =	vmul.f32 v14, v6;
	v14 =	vmul.f32 v4, v4;
	v6 =	vsub.f32 v8, v7  }
0x90: {  	v7 =	vld [tilespmem:s21+$0xF780];
	v8 =	vmul.f32 v16, v22  }
0x91: {  	v9 =	vmul.f32 v9, v11;
	v11 =	vadd.f32 v18, v14;
	v14 =	vmul.f32 v6, v6  }
0x92: {  	v15 =	vsub.f32 v15, v24;
	v18 =	vsub.f32 v17, v20;
	v17 =	vld [tilespmem:s21+$0x9580];
	v8 =	vmul.f32 v8, v16  }
0x93: {  	v26 =	vsub.f32 v10, v19;
	v25 =	vmax.f32 v9, $9.999999960e-13;
	v9 =	vadd.f32 v11, v14  }
0x94: {  	v11 =	vsub.f32 v23, v24;
	(erf) = vrcp.f32 v25;
	v8 =	vsub.f32 $1.500000000e+00, v8  }
0x95: {  	v20 =	vsub.f32 v7, v20;
	v7 =	vshra.s32 v9, $0x1;
	v10 =	vmul.f32 $5.000000000e-01, v9  }
0x96: {  	v23 =	vmul.f32 v11, v18;
	v24 =	vsub.s32 $0x5F3759DF, v7;
	v25 =	vmul.f32 v8, v16  }
0x97: {  	s22 =	simm.s32 $0x40;
	v16 =	vsub.f32 v17, v19;
	v7 =	vmul.f32 v20, v15;
	v8 =	vmul.f32 v24, v10  }
0x98: {  	v14 =	vld [tilespmem:s22+$0x4C00];
	v19 =	vmul.f32 v26, v15;
	v22 =	vmul.f32 v25, v22  }
0x99: {  	v15 =	vld [tilespmem:s22+$0x6480];
	v11 =	vmul.f32 v11, v16;
	v27 =	vmul.f32 v24, v8  }
0x9a: {  	v17 =	vld [tilespmem:s22+$0x7D00];
	v7 =	vsub.f32 v23, v7;
	v22 =	vmul.f32 v22, v25  }
0x9b: {  	v23 =	vld [tilespmem:s22+$0xAE00];
	v28 =	vmul.f32 v20, v16;
	v8 =	vsub.f32 v19, v11;
	v16 =	vsub.f32 $1.500000000e+00, v27  }
0x9c: {  	v18 =	vmul.f32 v26, v18;
	v26 =	vmul.f32 v7, v7;
	v27 =	vld [tilespmem:s22+$0xC680];
	v22 =	vsub.f32 $1.500000000e+00, v22  }
0x9d: {  	v19 =	vld [tilespmem:s22+$0xDF00];
	v29 =	vmul.f32 v8, v8;
	v11 =	vpop (erf);
	v16 =	vmul.f32 v24, v16  }
0x9e: {  	v20 =	vld [tilespmem:s22+$0x11000];
	v24 =	vmul.f32 v11, v13;
	v13 =	vsub.f32 v28, v18;
	v18 =	vmul.f32 v22, v25  }
0x9f: {  	v22 =	vld [tilespmem:s22+$0xF780];
	v30 =	vmul.f32 v11, v12;
	v63 =	vmul.f32 v16, v10  }
0xa0: {  	[tilespmem:s18+$0x15980] =	vst v24;
	v24 =	vadd.f32 v29, v26;
	v25 =	vmul.f32 v13, v13;
	v18 =	vmul.f32 v18, v21  }
0xa1: {  	s23 =	simm.s32 $0x140;
	v12 =	vsub.f32 v23, v15;
	v23 =	vsub.f32 v27, v17;
	v26 =	vld [tilespmem:s22+$0x9580];
	v21 =	vmul.f32 v63, v16;
	[tilespmem:s18+$0x12880] =	vst v30  }
.LBB2_4:
0xa2: {  	p1 =	sne.s32 s23, $0x61C0;
	v19 =	vsub.f32 v19, v14;
	v18 =	vmax.f32 v18, $9.999999960e-13;
	v27 =	vmovc v9;
	v9 =	vadd.f32 v24, v25;
	v24 =	vmovc v6  }
0xa3: {  	v6 =	vmovc v13;
	v17 =	vsub.f32 v20, v17;
	v20 =	vsub.f32 $1.500000000e+00, v21;
	(erf) = vrcp.f32 v18  }
0xa4: {  	v13 =	vsub.f32 v22, v15;
	v15 =	vshra.s32 v9, $0x1;
	v18 =	vmul.f32 $5.000000000e-01, v9  }
0xa5: {  	v21 =	vmul.f32 v17, v12;
	v22 =	vsub.s32 $0x5F3759DF, v15;
	v25 =	vmul.f32 v20, v16  }
0xa6: {  	s24 =	sshra.s32 s23, $0x2;
	v16 =	vsub.f32 v26, v14;
	v20 =	vmul.f32 v13, v23;
	v26 =	vmul.f32 v22, v18  }
0xa7: {  	v23 =	vmul.f32 v19, v23;
	v14 =	vld [tilespmem:s24+$0x4C00];
	v28 =	vmul.f32 v25, v10;
	v10 =	vmov v18  }
0xa8: {  	v15 =	vld [tilespmem:s24+$0x6480];
	v18 =	vmul.f32 v17, v16;
	v26 =	vmul.f32 v22, v26  }
0xa9: {  	v30 =	vmul.f32 v11, v0;
	v0 =	vmovc v2;
	v21 =	vsub.f32 v21, v20;
	v17 =	vld [tilespmem:s24+$0x7D00];
	v20 =	vmul.f32 v28, v25  }
0xaa: {  	v2 =	vmovc v5;
	v5 =	vmovc v8;
	v13 =	vmul.f32 v13, v16;
	v28 =	vld [tilespmem:s24+$0xAE00];
	v16 =	vsub.f32 $1.500000000e+00, v26;
	v8 =	vsub.f32 v23, v18  }
0xab: {  	v12 =	vmul.f32 v19, v12;
	v18 =	vmul.f32 v21, v21;
	v23 =	vld [tilespmem:s24+$0xC680];
	v26 =	vsub.f32 $1.500000000e+00, v20;
	[tilespmem:s18+$0x14100] =	vst v30;
	s18 =	smov.u32 s19;
	s19 =	smov.u32 s20;
	s20 =	smov.u32 s21  }
.Ltmp1:
0xac: {  	s21 =	smov.u32 s22;
	s22 =	smov.u32 s24;
	v19 =	vld [tilespmem:s24+$0xDF00];
	v29 =	vmul.f32 v8, v8;
	v16 =	vmul.f32 v22, v16;
	v11 =	vpop (erf);
	(pc) =	sbr.rel @p1 .LBB2_4-.Ltmp1, $4  }
0xad: {  	v13 =	vsub.f32 v13, v12;
	v20 =	vld [tilespmem:s22+$0x11000];
	v12 =	vmul.f32 v26, v25;
	v26 =	vmul.f32 v11, v3;
	v3 =	vmovc v24  }
0xae: {  	v31 =	vmul.f32 v11, v1;
	v1 =	vmovc v4;
	v4 =	vmovc v7;
	v7 =	vmov v21;
	v22 =	vld [tilespmem:s22+$0xF780];
	v30 =	vmul.f32 v16, v10  }
0xaf: {  	v25 =	vmul.f32 v13, v13;
	v24 =	vadd.f32 v29, v18;
	v18 =	vmul.f32 v12, v27;
	[tilespmem:s18+$0x15980] =	vst v26  }
0xb0: {  	s23 =	sadd.s32 $0x40, s23;
	v12 =	vsub.f32 v28, v15;
	v26 =	vld [tilespmem:s22+$0x9580];
	v23 =	vsub.f32 v23, v17;
	v21 =	vmul.f32 v30, v16;
	[tilespmem:s18+$0x12880] =	vst v31  }
0xb1: {  	_ =	sdelay $0x2  }
0xb2: {  	v19 =	vsub.f32 v19, v14;
	v17 =	vsub.f32 v20, v17  }
0xb3: {  	v15 =	vsub.f32 v22, v15;
	v26 =	vsub.f32 v26, v14  }
0xb4: {  	v27 =	vmul.f32 v19, v23;
	v20 =	vmul.f32 v17, v12  }
0xb5: {  	v22 =	vmul.f32 v15, v23;
	v17 =	vmul.f32 v17, v26  }
0xb6: {  	v28 =	vmul.f32 v19, v12  }
0xb7: {  	v20 =	vsub.f32 v20, v22;
	v14 =	vmul.f32 v15, v26;
	v17 =	vsub.f32 v27, v17;
	_ =	sdelay $0x1  }
0xb8: {  	v29 =	vmul.f32 v20, v20;
	v12 =	vsub.f32 v14, v28;
	v30 =	vmul.f32 v17, v17  }
0xb9: {  	v31 =	vadd.f32 v24, v25  }
0xba: {  	v32 =	vmul.f32 v12, v12;
	v15 =	vadd.f32 v30, v29  }
0xbb: {  	v33 =	vshra.s32 v31, $0x1;
	v34 =	vmul.f32 $5.000000000e-01, v31  }
0xbc: {  	v22 =	vsub.s32 $0x5F3759DF, v33;
	v15 =	vadd.f32 v15, v32  }
0xbd: {  	v35 =	vmul.f32 v22, v34  }
0xbe: {  	v36 =	vshra.s32 v15, $0x1;
	v37 =	vmul.f32 $5.000000000e-01, v15  }
0xbf: {  	v19 =	vmul.f32 v22, v35;
	v24 =	vsub.s32 $0x5F3759DF, v36  }
0xc0: {  	v38 =	vmul.f32 v24, v37  }
0xc1: {  	v19 =	vsub.f32 $1.500000000e+00, v19  }
0xc2: {  	v26 =	vmul.f32 v24, v38  }
0xc3: {  	v19 =	vmul.f32 v22, v19  }
0xc4: {  	v39 =	vsub.f32 $1.500000000e+00, v26  }
0xc5: {  	v40 =	vmul.f32 v19, v34  }
0xc6: {  	v21 =	vsub.f32 $1.500000000e+00, v21;
	v22 =	vmul.f32 v24, v39  }
0xc7: {  	v41 =	vmul.f32 v40, v19  }
0xc8: {  	v16 =	vmul.f32 v21, v16;
	v42 =	vmul.f32 v22, v37  }
0xc9: {  	v24 =	vsub.f32 $1.500000000e+00, v41  }
0xca: {  	v10 =	vmul.f32 v16, v10;
	v21 =	vmul.f32 v42, v22  }
0xcb: {  	v19 =	vmul.f32 v24, v19  }
0xcc: {  	v10 =	vmul.f32 v10, v16;
	v21 =	vsub.f32 $1.500000000e+00, v21  }
0xcd: {  	v23 =	vmul.f32 v19, v34  }
0xce: {  	v10 =	vsub.f32 $1.500000000e+00, v10;
	v21 =	vmul.f32 v21, v22  }
0xcf: {  	v43 =	vmul.f32 v23, v19  }
0xd0: {  	v18 =	vmax.f32 v18, $9.999999960e-13;
	v10 =	vmul.f32 v10, v16;
	v44 =	vmul.f32 v21, v37  }
0xd1: {  	(erf) = vrcp.f32 v18;
	v45 =	vsub.f32 $1.500000000e+00, v43  }
0xd2: {  	v9 =	vmul.f32 v10, v9;
	v46 =	vmul.f32 v44, v21  }
0xd3: {  	v47 =	vmul.f32 v45, v19  }
0xd4: {  	v9 =	vmax.f32 v9, $9.999999960e-13;
	v10 =	vsub.f32 $1.500000000e+00, v46  }
0xd5: {  	(erf) = vrcp.f32 v9;
	v48 =	vmul.f32 v47, v31  }
0xd6: {  	v10 =	vmul.f32 v10, v21  }
0xd7: {  	v9 =	vmax.f32 v48, $9.999999960e-13  }
0xd8: {  	(erf) = vrcp.f32 v9;
	v49 =	vmul.f32 v10, v15;
	_ =	sdelay $0x1  }
0xd9: {  	v9 =	vmax.f32 v49, $9.999999960e-13  }
0xda: {  	v0 =	vmul.f32 v11, v0;
	v50 =	vpop (erf);
	(erf) = vrcp.f32 v9  }
0xdb: {  	v3 =	vmul.f32 v50, v3  }
0xdc: {  	[tilespmem:s18+$0x14100] =	vst v0;
	v51 =	vmul.f32 v50, v1  }
0xdd: {  	v2 =	vmul.f32 v50, v2;
	[tilespmem:s19+$0x15980] =	vst v3;
	v52 =	vpop (erf)  }
0xde: {  	[tilespmem:s19+$0x12880] =	vst v51;
	v53 =	vmul.f32 v52, v6  }
0xdf: {  	[tilespmem:s19+$0x14100] =	vst v2;
	v54 =	vmul.f32 v52, v4  }
0xe0: {  	v56 =	vmul.f32 v52, v5;
	[tilespmem:s20+$0x15980] =	vst v53;
	v55 =	vpop (erf)  }
0xe1: {  	[tilespmem:s20+$0x12880] =	vst v54;
	v57 =	vmul.f32 v55, v13  }
0xe2: {  	[tilespmem:s20+$0x14100] =	vst v56;
	v58 =	vmul.f32 v55, v7  }
0xe3: {  	v59 =	vmul.f32 v55, v8;
	[tilespmem:s21+$0x15980] =	vst v57;
	v60 =	vpop (erf)  }
0xe4: {  	[tilespmem:s21+$0x12880] =	vst v58;
	v61 =	vmul.f32 v60, v12  }
0xe5: {  	[tilespmem:s21+$0x14100] =	vst v59;
	v62 =	vmul.f32 v60, v20  }
0xe6: {  	v63 =	vmul.f32 v60, v17;
	[tilespmem:s22+$0x15980] =	vst v61  }
0xe7: {  	[tilespmem:s22+$0x12880] =	vst v62  }
0xe8: {  	s18 =	simm.s32 @p0 $0x0;
	s19 =	simm.s32 @p0 $0x12880;
	[tilespmem:s22+$0x14100] =	vst v63  }
0xe9: {  	[hbm4b:s10+s18] =	stream.linear.scatter @p0 [tilespmem:s19], [sflag:$0x2], $0x15C0, $0x38;
	[tilespmem:$0x17200] =	vst v63  }
0xea: {  	s19 =	simm.s32 @p0 $0x2  }
0xeb: {  	_ =	swait.ge @p0 [sflag:s19], $0x15C0  }
0xec: {  	[sflag:s19] =	ssyncset.done @p0 $0x0  }
0xed: {  	s20 =	simm.s32 @p0 $0x14100;
	[sflag:s19] =	ssyncadd.s32 @p0 $0xFFFFEA40  }
0xee: {  	[hbm4b:s11+s18] =	stream.linear.scatter @p0 [tilespmem:s20], [sflag:$0x2], $0x15C0, $0x38;
	[tilespmem:$0x17200] =	vst v63  }
0xef: {  	_ =	swait.ge @p0 [sflag:s19], $0x15C0  }
0xf0: {  	[sflag:s19] =	ssyncset.done @p0 $0x0  }
0xf1: {  	s20 =	simm.s32 @p0 $0x15980;
	[sflag:s19] =	ssyncadd.s32 @p0 $0xFFFFEA40  }
0xf2: {  	[hbm4b:s12+s18] =	stream.linear.scatter @p0 [tilespmem:s20], [sflag:$0x2], $0x15C0, $0x38;
	[tilespmem:$0x17200] =	vst v63  }
0xf3: {  	_ =	swait.ge @p0 [sflag:s19], $0x15C0  }
0xf4: {  	[sflag:s19] =	ssyncset.done @p0 $0x0  }
0xf5: {  	s18 =	simm.s32 @!p0 $0x0;
	[sflag:s19] =	ssyncadd.s32 @p0 $0xFFFFEA40;
	s19 =	simm.s32 @!p0 $0x12880  }
0xf6: {  	[hbm4b:s7+s18] =	stream.linear.scatter @!p0 [tilespmem:s19], [sflag:$0x2], $0x1880, $0x38;
	[tilespmem:$0x17200] =	vst v63  }
0xf7: {  	s19 =	simm.s32 @!p0 $0x2  }
0xf8: {  	_ =	swait.ge @!p0 [sflag:s19], $0x1880  }
0xf9: {  	[sflag:s19] =	ssyncset.done @!p0 $0x0  }
0xfa: {  	s20 =	simm.s32 @!p0 $0x14100;
	[sflag:s19] =	ssyncadd.s32 @!p0 $0xFFFFE780  }
0xfb: {  	[hbm4b:s8+s18] =	stream.linear.scatter @!p0 [tilespmem:s20], [sflag:$0x2], $0x1880, $0x38;
	[tilespmem:$0x17200] =	vst v63  }
0xfc: {  	s17 =	sadd.s32 $0x1, s17;
	_ =	swait.ge @!p0 [sflag:s19], $0x1880  }
0xfd: {  	p1 =	sne.s32 s17, s13;
	[sflag:s19] =	ssyncset.done @!p0 $0x0  }
.Ltmp2:
0xfe: {  	s20 =	simm.s32 @!p0 $0x15980;
	[sflag:s19] =	ssyncadd.s32 @!p0 $0xFFFFE780;
	(pc) =	sbr.rel @p1 .LBB2_1-.Ltmp2, $4  }
0xff: {  	[hbm4b:s9+s18] =	stream.linear.scatter @!p0 [tilespmem:s20], [sflag:$0x2], $0x1880, $0x38;
	[tilespmem:$0x17200] =	vst v63  }
0x100: {  	_ =	swait.ge @!p0 [sflag:s19], $0x1880  }
0x101: {  	[sflag:s19] =	ssyncset.done @!p0 $0x0  }
0x102: {  	[sflag:s19] =	ssyncadd.s32 @!p0 $0xFFFFE780  }
0x103: {  	_ =	sfence.sel $0x180000  }
0x104: {  	[bflag:$0x0] =	sbarrier.arrive $0xFFFF  }
0x105: {  	p0 =	sne.s32 s0, $0x0;
	_ =	strace $0x90000047  }
0x106: {  	s0 =	sadd.s32 @!p0 $0x100000, s1;
	[bflag:$0x2] =	sbarrier.arrive $0xFFFF  }
0x107: {  	[sflag:s0] =	ssyncadd.tile.s32 @!p0 $0x1;
	_ =	shalt  }
.Lfunc_end2:
_tile_overlayer_lowered:
.L_overlay_start_2:
0x108: {  	(tag) =	ssettag $0x2  }
0x109: {  	s0 =	rddreg [dreg:$0x0];
	s2 =	stileid.u32  }
0x10a: {  	s1 =	rddreg [dreg:$0x1];
	p0 =	sne.s32 s2, $0x0  }
0x10b: {  	s3 =	rddreg [dreg:$0x2];
	[bflag:$0x3] =	sbarrier.arrive $0xFFFF;
	s2 =	simm.s32 @!p0 $0x1C02  }
0x10c: {  	[timem:s3], [sflag:s2] =	dma.local @!p0 [hbm:s0], s1  }
0x10d: {  	s0 =	simm.s32 @!p0 $0x2  }
0x10e: {  	_ =	swait.ge @!p0 [sflag:s0], s1  }
0x10f: {  	s1 =	ssub.s32 @!p0 $0x0, s1;
	[sflag:s0] =	ssyncset.done @!p0 $0x0  }
0x110: {  	[sflag:s0] =	ssyncadd.s32 @!p0 s1  }
0x111: {  	[bflag:$0x3] =	sbarrier.arrive $0xFFFF  }
0x112: {  	_ =	shalt  }

</sc_bundles>
